<compile_context>
chip_gen: v7x
topology: tpu7x:2x2x1
jax: 0.10.2.dev20260603
libtpu: 0.0.44.dev20260713+nightly
codegen_flags: <defaults>
</compile_context>

<pallas_src>
import jax
import jax.numpy as jnp
from jax import lax
from jax.experimental import pallas as pl
from jax.experimental.pallas import tpu as pltpu
from jax.experimental.pallas import tpu_sc as plsc

_N = 10000
_E = 320000
_F = 128
_NC = 2
_NS = 16
_NW = _NC * _NS
_P = 10240
_EP = 327680
_EPT = _EP // _NW
_G = 128
_NB = _EPT // _G
_RPT = _P // _NS
_R = 1024



def _sc_prop_body(src_hbm, dst_hbm, q_hbm, zeros_hbm, out_hbm,
                  idx_s, idx_d, rows, accum, sem):
    c = lax.axis_index("c")
    s = lax.axis_index("s")
    wid = s * _NC + c
    r0 = s * _RPT
    pltpu.sync_copy(zeros_hbm.at[pl.ds(r0, _RPT)], accum.at[pl.ds(r0, _RPT)])
    plsc.subcore_barrier()
    ebase = wid * _EPT

    def body(j, carry):
        base = pl.multiple_of(ebase + j * _G, _G)
        pltpu.sync_copy(src_hbm.at[pl.ds(base, _G)], idx_s)
        pltpu.sync_copy(dst_hbm.at[pl.ds(base, _G)], idx_d)
        pltpu.async_copy(q_hbm.at[idx_s], rows, sem).wait()
        pltpu.sync_copy(rows, accum.at[idx_d], add=True)
        return carry

    lax.fori_loop(0, _NB, body, 0)
    plsc.subcore_barrier()
    pltpu.sync_copy(accum.at[pl.ds(r0, _RPT)],
                    out_hbm.at[pl.ds(c * _P + r0, _RPT)])


_sc_prop = pl.kernel(
    _sc_prop_body,
    out_type=jax.ShapeDtypeStruct((_NC * _P, _F), jnp.float32),
    mesh=plsc.VectorSubcoreMesh(core_axis_name="c", subcore_axis_name="s"),
    scratch_types=[
        pltpu.VMEM((_G,), jnp.int32),
        pltpu.VMEM((_G,), jnp.int32),
        pltpu.VMEM((_G, _F), jnp.float32),
        pltpu.VMEM_SHARED((_P, _F), jnp.float32),
        pltpu.SemaphoreType.DMA,
    ],
)


def _sc_deg_body(dst_hbm, zeros_hbm, out_hbm, idx_d, ones_v, accum):
    c = lax.axis_index("c")
    s = lax.axis_index("s")
    wid = s * _NC + c
    for i in range(_G // 16):
        ones_v[pl.ds(i * 16, 16)] = jnp.ones((16,), jnp.float32)
    r0 = s * _RPT
    pltpu.sync_copy(zeros_hbm.at[pl.ds(r0, _RPT)], accum.at[pl.ds(r0, _RPT)])
    plsc.subcore_barrier()
    ebase = wid * _EPT

    def body(j, carry):
        base = pl.multiple_of(ebase + j * _G, _G)
        pltpu.sync_copy(dst_hbm.at[pl.ds(base, _G)], idx_d)
        pltpu.sync_copy(ones_v, accum.at[idx_d], add=True)
        return carry

    lax.fori_loop(0, _NB, body, 0)
    plsc.subcore_barrier()
    pltpu.sync_copy(accum.at[pl.ds(r0, _RPT)],
                    out_hbm.at[pl.ds(c * _P + r0, _RPT)])


_sc_deg = pl.kernel(
    _sc_deg_body,
    out_type=jax.ShapeDtypeStruct((_NC * _P,), jnp.float32),
    mesh=plsc.VectorSubcoreMesh(core_axis_name="c", subcore_axis_name="s"),
    scratch_types=[
        pltpu.VMEM((_G,), jnp.int32),
        pltpu.VMEM((_G,), jnp.float32),
        pltpu.VMEM_SHARED((_P,), jnp.float32),
    ],
)



def _mm1_body(x1_ref, x2_ref, w1_ref, b1_ref, w2_ref, b2_ref, wa_ref, wb_ref,
              p1_ref):
    h1 = jnp.dot(x1_ref[...], w1_ref[...],
                 preferred_element_type=jnp.float32) + b1_ref[...]
    h2 = jnp.dot(x2_ref[...], w2_ref[...],
                 preferred_element_type=jnp.float32) + b2_ref[...]
    p1_ref[...] = (jnp.dot(h1, wa_ref[...], preferred_element_type=jnp.float32)
                   + jnp.dot(h2, wb_ref[...], preferred_element_type=jnp.float32))


_mm1 = pl.pallas_call(
    _mm1_body,
    grid=(_P // _R,),
    in_specs=[
        pl.BlockSpec((_R, _F), lambda i: (i, 0)),
        pl.BlockSpec((_R, _F), lambda i: (i, 0)),
        pl.BlockSpec((_F, _F), lambda i: (0, 0)),
        pl.BlockSpec((1, _F), lambda i: (0, 0)),
        pl.BlockSpec((_F, _F), lambda i: (0, 0)),
        pl.BlockSpec((1, _F), lambda i: (0, 0)),
        pl.BlockSpec((_F, _F), lambda i: (0, 0)),
        pl.BlockSpec((_F, _F), lambda i: (0, 0)),
    ],
    out_specs=pl.BlockSpec((_R, _F), lambda i: (i, 0)),
    out_shape=jax.ShapeDtypeStruct((_P, _F), jnp.float32),
)


def _scale_body(deg0_ref, deg1_ref, p1_ref, q1_ref, inv_ref, inv2_ref):
    deg = deg0_ref[...] + deg1_ref[...] + 1.0
    inv = lax.rsqrt(deg)
    inv_ref[...] = inv
    inv2_ref[...] = inv * inv
    q1_ref[...] = p1_ref[...] * inv


_scale = pl.pallas_call(
    _scale_body,
    grid=(_P // _R,),
    in_specs=[
        pl.BlockSpec((_R, 1), lambda i: (i, 0)),
        pl.BlockSpec((_R, 1), lambda i: (i, 0)),
        pl.BlockSpec((_R, _F), lambda i: (i, 0)),
    ],
    out_specs=[
        pl.BlockSpec((_R, _F), lambda i: (i, 0)),
        pl.BlockSpec((_R, 1), lambda i: (i, 0)),
        pl.BlockSpec((_R, 1), lambda i: (i, 0)),
    ],
    out_shape=[
        jax.ShapeDtypeStruct((_P, _F), jnp.float32),
        jax.ShapeDtypeStruct((_P, 1), jnp.float32),
        jax.ShapeDtypeStruct((_P, 1), jnp.float32),
    ],
)


def _hq_body(r0_ref, r1_ref, p1_ref, inv_ref, inv2_ref, bc1_ref, h_ref,
             q2_ref):
    r = (r0_ref[...] + r1_ref[...]) * inv_ref[...]
    h = jnp.maximum(r + p1_ref[...] * inv2_ref[...] + bc1_ref[...], 0.0)
    h_ref[...] = h
    q2_ref[...] = h * inv_ref[...]


_hq = pl.pallas_call(
    _hq_body,
    grid=(_P // _R,),
    in_specs=[
        pl.BlockSpec((_R, _F), lambda i: (i, 0)),
        pl.BlockSpec((_R, _F), lambda i: (i, 0)),
        pl.BlockSpec((_R, _F), lambda i: (i, 0)),
        pl.BlockSpec((_R, 1), lambda i: (i, 0)),
        pl.BlockSpec((_R, 1), lambda i: (i, 0)),
        pl.BlockSpec((1, _F), lambda i: (0, 0)),
    ],
    out_specs=[
        pl.BlockSpec((_R, _F), lambda i: (i, 0)),
        pl.BlockSpec((_R, _F), lambda i: (i, 0)),
    ],
    out_shape=[
        jax.ShapeDtypeStruct((_P, _F), jnp.float32),
        jax.ShapeDtypeStruct((_P, _F), jnp.float32),
    ],
)


def _out_body(r0_ref, r1_ref, h_ref, inv_ref, inv2_ref, wmu_ref, bmu_ref,
              wls_ref, bls_ref, mu_ref, ls_ref):
    g = (r0_ref[...] + r1_ref[...]) * inv_ref[...] + h_ref[...] * inv2_ref[...]
    mu_ref[...] = jnp.dot(g, wmu_ref[...],
                          preferred_element_type=jnp.float32) + bmu_ref[...]
    ls_ref[...] = jnp.dot(g, wls_ref[...],
                          preferred_element_type=jnp.float32) + bls_ref[...]


_outk = pl.pallas_call(
    _out_body,
    grid=(_P // _R,),
    in_specs=[
        pl.BlockSpec((_R, _F), lambda i: (i, 0)),
        pl.BlockSpec((_R, _F), lambda i: (i, 0)),
        pl.BlockSpec((_R, _F), lambda i: (i, 0)),
        pl.BlockSpec((_R, 1), lambda i: (i, 0)),
        pl.BlockSpec((_R, 1), lambda i: (i, 0)),
        pl.BlockSpec((_F, 64), lambda i: (0, 0)),
        pl.BlockSpec((1, 64), lambda i: (0, 0)),
        pl.BlockSpec((_F, 64), lambda i: (0, 0)),
        pl.BlockSpec((1, 64), lambda i: (0, 0)),
    ],
    out_specs=[
        pl.BlockSpec((_R, 64), lambda i: (i, 0)),
        pl.BlockSpec((_R, 64), lambda i: (i, 0)),
    ],
    out_shape=[
        jax.ShapeDtypeStruct((_P, 64), jnp.float32),
        jax.ShapeDtypeStruct((_P, 64), jnp.float32),
    ],
)



def kernel(x1, x2, edge_index, W1, b1, W2, b2, Wc1, bc1, Wmu, bmu, Wls, bls):
    f32 = jnp.float32
    x1p = jnp.pad(x1.astype(f32), ((0, _P - _N), (0, 0)))
    x2p = jnp.pad(x2.astype(f32), ((0, _P - _N), (0, 0)))
    src = jnp.pad(edge_index[0], (0, _EP - _E), constant_values=_P - 1)
    dst = jnp.pad(edge_index[1], (0, _EP - _E), constant_values=_P - 1)
    zeros_pf = jnp.zeros((_P, _F), f32)
    zeros_p = jnp.zeros((_P,), f32)

    degp = _sc_deg(dst, zeros_p)
    deg0 = degp[:_P].reshape(_P, 1)
    deg1 = degp[_P:].reshape(_P, 1)

    p1 = _mm1(x1p, x2p, W1, b1.reshape(1, -1), W2, b2.reshape(1, -1),
              Wc1[:_F], Wc1[_F:])
    q1, inv, inv2 = _scale(deg0, deg1, p1)
    r1 = _sc_prop(src, dst, q1, zeros_pf)
    h, q2 = _hq(r1[:_P], r1[_P:], p1, inv, inv2, bc1.reshape(1, -1))
    r2 = _sc_prop(src, dst, q2, zeros_pf)
    mu, ls = _outk(r2[:_P], r2[_P:], h, inv, inv2, Wmu, bmu.reshape(1, -1),
                   Wls, bls.reshape(1, -1))
    return mu[:_N], ls[:_N]

# --- scband reference (transcript-rebuilt; emitter-appended) ---
"""Pipeline reference for scband-xgvaencoder-31937376813479 (READ-ONLY COPY).

The authoritative reference and input builder live on the scoring server;
editing this copy changes nothing except your own understanding.
"""

import jax, jax.numpy as jnp
import numpy as np

N = 10000
E = 320000
IN1 = 128
IN2 = 128
OUT = 64


def gcn_conv(x, edge_index, W, b):
    # GCNConv with symmetric normalization and self-loops:
    # out = D^{-1/2} (A + I) D^{-1/2} X W + b
    n = x.shape[0]
    h = x @ W
    src = edge_index[0]
    dst = edge_index[1]
    deg = jnp.ones((n,), dtype=x.dtype).at[dst].add(1.0)  # +1 for self-loop
    inv = jax.lax.rsqrt(deg)
    coef = inv[src] * inv[dst]
    msg = h[src] * coef[:, None]
    agg = jnp.zeros_like(h).at[dst].add(msg)
    agg = agg + h * (inv * inv)[:, None]  # self-loop contribution
    return agg + b


def setup_inputs(seed: int = 0) -> dict:
    key = jax.random.key(seed)
    ks = jax.random.split(key, 16)
    inp = {}
    inp["x1"] = jax.random.normal(ks[0], (N, IN1), dtype=jnp.float32)
    inp["x2"] = jax.random.normal(ks[1], (N, IN2), dtype=jnp.float32)
    inp["edge_index"] = jax.random.randint(ks[2], (2, E), 0, N, dtype=jnp.int32)
    # learned parameters
    inp["W1"] = jax.random.normal(ks[3], (IN1, IN1), dtype=jnp.float32) * 0.05
    inp["b1"] = jnp.zeros((IN1,), dtype=jnp.float32)
    inp["W2"] = jax.random.normal(ks[4], (IN2, IN2), dtype=jnp.float32) * 0.05
    inp["b2"] = jnp.zeros((IN2,), dtype=jnp.float32)
    inp["Wc1"] = jax.random.normal(ks[5], (IN1 + IN2, 2 * OUT), dtype=jnp.float32) * 0.05
    inp["bc1"] = jnp.zeros((2 * OUT,), dtype=jnp.float32)
    inp["Wmu"] = jax.random.normal(ks[6], (2 * OUT, OUT), dtype=jnp.float32) * 0.05
    inp["bmu"] = jnp.zeros((OUT,), dtype=jnp.float32)
    inp["Wls"] = jax.random.normal(ks[7], (2 * OUT, OUT), dtype=jnp.float32) * 0.05
    inp["bls"] = jnp.zeros((OUT,), dtype=jnp.float32)
    return inp


def reference(x1, x2, edge_index, W1, b1, W2, b2, Wc1, bc1, Wmu, bmu, Wls, bls):
    # Dense projections on each modality
    h1 = x1 @ W1 + b1
    h2 = x2 @ W2 + b2
    # concat along feature dim (matches conv1 in_channels = in1 + in2)
    concat = jnp.concatenate([h1, h2], axis=1)
    h = jax.nn.relu(gcn_conv(concat, edge_index, Wc1, bc1))
    mu = gcn_conv(h, edge_index, Wmu, bmu)
    logstd = gcn_conv(h, edge_index, Wls, bls)
    return (mu, logstd)

if __name__ == "__main__":
    import jax
    _d = setup_inputs()
    print(jax.jit(kernel)(*tuple(_d.values())))

</pallas_src>

<mosaic_0001>
#map = affine_map<(d0, d1) -> (0)>
module attributes {stable_mosaic.version = 14 : i64} {
  func.func @_sc_deg_body(%arg0: i32, %arg1: i32, %arg2: memref<327680xi32, #tpu.memory_space<hbm>>, %arg3: memref<10240xf32, #tpu.memory_space<hbm>>, %arg4: memref<20480xf32, #tpu.memory_space<hbm>>, %arg5: memref<128xi32, #tpu.memory_space<vmem>>, %arg6: memref<128xf32, #tpu.memory_space<vmem>>, %arg7: memref<10240xf32, #tpu.memory_space<vmem_shared>>) attributes {dimension_semantics = [#tpu.dimension_semantics<core_parallel>, #tpu.dimension_semantics<subcore_parallel>], iteration_bounds = array<i64: 2, 16>, scalar_prefetch = 0 : i64, scratch_operands = 3 : i64, tpu.core_type = #tpu.core_type<sc_vector_subcore>, window_params = [{transform_indices = #map}, {transform_indices = #map}, {transform_indices = #map}]} {
    %mul3A = arith.constant 2 : i32
    %mul3A_0 = arith.muli %arg1, %mul3A : i32
    %add3A = arith.addi %mul3A_0, %arg0 : i32
    %broadcast_in_dim3A = arith.constant 1.000000e+00 : f32
    %broadcast_in_dim3A_1 = vector.broadcast %broadcast_in_dim3A : f32 to vector<16xf32>
    %swap3A = arith.constant 0 : index
    %swap3A_2 = tpu.vector_load %arg6[%swap3A] {strides = array<i32>} : memref<128xf32, #tpu.memory_space<vmem>>, vector<16xf32>,
    %swap3A_3 = vector.shape_cast %swap3A_2 : vector<16xf32> to vector<16xf32>
    %swap3A_4 = vector.shape_cast %broadcast_in_dim3A_1 : vector<16xf32> to vector<16xf32>
    tpu.vector_store %arg6[%swap3A], %swap3A_4 {strides = array<i32>} : memref<128xf32, #tpu.memory_space<vmem>>, vector<16xf32>,
    %broadcast_in_dim3A_5 = arith.constant 1.000000e+00 : f32
    %broadcast_in_dim3A_6 = vector.broadcast %broadcast_in_dim3A_5 : f32 to vector<16xf32>
    %swap3A_7 = arith.constant 16 : index
    %swap3A_8 = tpu.vector_load %arg6[%swap3A_7] {strides = array<i32>} : memref<128xf32, #tpu.memory_space<vmem>>, vector<16xf32>,
    %swap3A_9 = vector.shape_cast %swap3A_8 : vector<16xf32> to vector<16xf32>
    %swap3A_10 = vector.shape_cast %broadcast_in_dim3A_6 : vector<16xf32> to vector<16xf32>
    tpu.vector_store %arg6[%swap3A_7], %swap3A_10 {strides = array<i32>} : memref<128xf32, #tpu.memory_space<vmem>>, vector<16xf32>,
    %broadcast_in_dim3A_11 = arith.constant 1.000000e+00 : f32
    %broadcast_in_dim3A_12 = vector.broadcast %broadcast_in_dim3A_11 : f32 to vector<16xf32>
    %swap3A_13 = arith.constant 32 : index
    %swap3A_14 = tpu.vector_load %arg6[%swap3A_13] {strides = array<i32>} : memref<128xf32, #tpu.memory_space<vmem>>, vector<16xf32>,
    %swap3A_15 = vector.shape_cast %swap3A_14 : vector<16xf32> to vector<16xf32>
    %swap3A_16 = vector.shape_cast %broadcast_in_dim3A_12 : vector<16xf32> to vector<16xf32>
    tpu.vector_store %arg6[%swap3A_13], %swap3A_16 {strides = array<i32>} : memref<128xf32, #tpu.memory_space<vmem>>, vector<16xf32>,
    %broadcast_in_dim3A_17 = arith.constant 1.000000e+00 : f32
    %broadcast_in_dim3A_18 = vector.broadcast %broadcast_in_dim3A_17 : f32 to vector<16xf32>
    %swap3A_19 = arith.constant 48 : index
    %swap3A_20 = tpu.vector_load %arg6[%swap3A_19] {strides = array<i32>} : memref<128xf32, #tpu.memory_space<vmem>>, vector<16xf32>,
    %swap3A_21 = vector.shape_cast %swap3A_20 : vector<16xf32> to vector<16xf32>
    %swap3A_22 = vector.shape_cast %broadcast_in_dim3A_18 : vector<16xf32> to vector<16xf32>
    tpu.vector_store %arg6[%swap3A_19], %swap3A_22 {strides = array<i32>} : memref<128xf32, #tpu.memory_space<vmem>>, vector<16xf32>,
    %broadcast_in_dim3A_23 = arith.constant 1.000000e+00 : f32
    %broadcast_in_dim3A_24 = vector.broadcast %broadcast_in_dim3A_23 : f32 to vector<16xf32>
    %swap3A_25 = arith.constant 64 : index
    %swap3A_26 = tpu.vector_load %arg6[%swap3A_25] {strides = array<i32>} : memref<128xf32, #tpu.memory_space<vmem>>, vector<16xf32>,
    %swap3A_27 = vector.shape_cast %swap3A_26 : vector<16xf32> to vector<16xf32>
    %swap3A_28 = vector.shape_cast %broadcast_in_dim3A_24 : vector<16xf32> to vector<16xf32>
    tpu.vector_store %arg6[%swap3A_25], %swap3A_28 {strides = array<i32>} : memref<128xf32, #tpu.memory_space<vmem>>, vector<16xf32>,
    %broadcast_in_dim3A_29 = arith.constant 1.000000e+00 : f32
    %broadcast_in_dim3A_30 = vector.broadcast %broadcast_in_dim3A_29 : f32 to vector<16xf32>
    %swap3A_31 = arith.constant 80 : index
    %swap3A_32 = tpu.vector_load %arg6[%swap3A_31] {strides = array<i32>} : memref<128xf32, #tpu.memory_space<vmem>>, vector<16xf32>,
    %swap3A_33 = vector.shape_cast %swap3A_32 : vector<16xf32> to vector<16xf32>
    %swap3A_34 = vector.shape_cast %broadcast_in_dim3A_30 : vector<16xf32> to vector<16xf32>
    tpu.vector_store %arg6[%swap3A_31], %swap3A_34 {strides = array<i32>} : memref<128xf32, #tpu.memory_space<vmem>>, vector<16xf32>,
    %broadcast_in_dim3A_35 = arith.constant 1.000000e+00 : f32
    %broadcast_in_dim3A_36 = vector.broadcast %broadcast_in_dim3A_35 : f32 to vector<16xf32>
    %swap3A_37 = arith.constant 96 : index
    %swap3A_38 = tpu.vector_load %arg6[%swap3A_37] {strides = array<i32>} : memref<128xf32, #tpu.memory_space<vmem>>, vector<16xf32>,
    %swap3A_39 = vector.shape_cast %swap3A_38 : vector<16xf32> to vector<16xf32>
    %swap3A_40 = vector.shape_cast %broadcast_in_dim3A_36 : vector<16xf32> to vector<16xf32>
    tpu.vector_store %arg6[%swap3A_37], %swap3A_40 {strides = array<i32>} : memref<128xf32, #tpu.memory_space<vmem>>, vector<16xf32>,
    %broadcast_in_dim3A_41 = arith.constant 1.000000e+00 : f32
    %broadcast_in_dim3A_42 = vector.broadcast %broadcast_in_dim3A_41 : f32 to vector<16xf32>
    %swap3A_43 = arith.constant 112 : index
    %swap3A_44 = tpu.vector_load %arg6[%swap3A_43] {strides = array<i32>} : memref<128xf32, #tpu.memory_space<vmem>>, vector<16xf32>,
    %swap3A_45 = vector.shape_cast %swap3A_44 : vector<16xf32> to vector<16xf32>
    %swap3A_46 = vector.shape_cast %broadcast_in_dim3A_42 : vector<16xf32> to vector<16xf32>
    tpu.vector_store %arg6[%swap3A_43], %swap3A_46 {strides = array<i32>} : memref<128xf32, #tpu.memory_space<vmem>>, vector<16xf32>,
    %mul3A_47 = arith.constant 640 : i32
    %mul3A_48 = arith.muli %arg1, %mul3A_47 : i32
    "tpu.region"() ({
      %run_scoped3A = tpu.sem_alloc : memref<!tpu.dma_semaphore, #tpu.memory_space<semaphore_mem>>
      %dma_start3A = tpu.memref_slice %arg7[%mul3A_48] : memref<10240xf32, #tpu.memory_space<vmem_shared>> -> memref<640xf32, #tpu.memory_space<vmem_shared>>
      %dma_start3A_60 = tpu.memref_slice %arg3[%mul3A_48] : memref<10240xf32, #tpu.memory_space<hbm>> -> memref<640xf32, #tpu.memory_space<hbm>>
      tpu.enqueue_dma source(%dma_start3A_60 : memref<640xf32, #tpu.memory_space<hbm>>) target(%dma_start3A : memref<640xf32, #tpu.memory_space<vmem_shared>>) target_semaphore(%run_scoped3A : memref<!tpu.dma_semaphore, #tpu.memory_space<semaphore_mem>>)
      %dma_wait3A = tpu.memref_slice %arg7[%mul3A_48] : memref<10240xf32, #tpu.memory_space<vmem_shared>> -> memref<640xf32, #tpu.memory_space<vmem_shared>>
      %dma_wait3A_61 = tpu.memref_slice %arg3[%mul3A_48] : memref<10240xf32, #tpu.memory_space<hbm>> -> memref<640xf32, #tpu.memory_space<hbm>>
      tpu.wait_dma2 semaphore(%run_scoped3A : memref<!tpu.dma_semaphore, #tpu.memory_space<semaphore_mem>>) src(%dma_wait3A_61 : memref<640xf32, #tpu.memory_space<hbm>>) dst(%dma_wait3A : memref<640xf32, #tpu.memory_space<vmem_shared>>)
      tpu.yield
    }) : () -> ()
    %barrier3A = arith.constant 0 : index
    tpu.barrier barrier_id(%barrier3A)
    %mul3A_49 = arith.constant 10240 : i32
    %mul3A_50 = arith.muli %add3A, %mul3A_49 : i32
    %scan3A = arith.constant 0 : i32
    %scan3A_51 = arith.constant 0 : i32
    %scan3A_52 = arith.constant 80 : i32
    %scan3A_53 = arith.addi %scan3A_51, %scan3A_52 : i32
    %scan3A_54 = arith.constant 1 : i32
    scf.for %scan3A_60 = %scan3A_51 to %scan3A_53 step %scan3A_54  : i32 {
      %mul3A_61 = arith.constant 128 : i32
      %mul3A_62 = arith.muli %scan3A_60, %mul3A_61 : i32
      %add3A_63 = arith.addi %mul3A_50, %mul3A_62 : i32
      %multiple_of3A = tpu.assume_multiple %add3A_63, 128 : i32
      "tpu.region"() ({
        %run_scoped3A = tpu.sem_alloc : memref<!tpu.dma_semaphore, #tpu.memory_space<semaphore_mem>>
        %dma_start3A = tpu.memref_slice %arg2[%multiple_of3A] : memref<327680xi32, #tpu.memory_space<hbm>> -> memref<128xi32, #tpu.memory_space<hbm>>
        %dma_start3A_64 = tpu.memref_slice %arg2[%multiple_of3A] : memref<327680xi32, #tpu.memory_space<hbm>> -> memref<128xi32, #tpu.memory_space<hbm>>
        tpu.enqueue_dma source(%dma_start3A_64 : memref<128xi32, #tpu.memory_space<hbm>>) target(%arg5 : memref<128xi32, #tpu.memory_space<vmem>>) target_semaphore(%run_scoped3A : memref<!tpu.dma_semaphore, #tpu.memory_space<semaphore_mem>>)
        %dma_wait3A = tpu.memref_slice %arg2[%multiple_of3A] : memref<327680xi32, #tpu.memory_space<hbm>> -> memref<128xi32, #tpu.memory_space<hbm>>
        %dma_wait3A_65 = tpu.memref_slice %arg2[%multiple_of3A] : memref<327680xi32, #tpu.memory_space<hbm>> -> memref<128xi32, #tpu.memory_space<hbm>>
        tpu.wait_dma2 semaphore(%run_scoped3A : memref<!tpu.dma_semaphore, #tpu.memory_space<semaphore_mem>>) src(%dma_wait3A_65 : memref<128xi32, #tpu.memory_space<hbm>>) dst(%arg5 : memref<128xi32, #tpu.memory_space<vmem>>)
        tpu.yield
      }) : () -> ()
      "tpu.region"() ({
        %run_scoped3A = tpu.sem_alloc : memref<!tpu.dma_semaphore, #tpu.memory_space<semaphore_mem>>
        %dma_start3A = arith.constant 0 : i32
        %dma_start3A_64 = tpu.memref_slice %arg7[%dma_start3A] : memref<10240xf32, #tpu.memory_space<vmem_shared>> -> memref<10240xf32, #tpu.memory_space<vmem_shared>>
        tpu.enqueue_indirect_dma source(%arg6 : memref<128xf32, #tpu.memory_space<vmem>>) target(%dma_start3A_64 : memref<10240xf32, #tpu.memory_space<vmem_shared>>) offsets(%arg5 : memref<128xi32, #tpu.memory_space<vmem>>) semaphore(%run_scoped3A : memref<!tpu.dma_semaphore, #tpu.memory_space<semaphore_mem>>) {add = true}
        %dma_wait3A = arith.constant 0 : i32
        %dma_wait3A_65 = tpu.memref_slice %arg7[%dma_wait3A] : memref<10240xf32, #tpu.memory_space<vmem_shared>> -> memref<10240xf32, #tpu.memory_space<vmem_shared>>
        tpu.wait_indirect_dma semaphore(%run_scoped3A : memref<!tpu.dma_semaphore, #tpu.memory_space<semaphore_mem>>) src(%arg6 : memref<128xf32, #tpu.memory_space<vmem>>) dst(%dma_wait3A_65 : memref<10240xf32, #tpu.memory_space<vmem_shared>>)
        tpu.yield
      }) : () -> ()
    }
    %scan3A_55 = arith.constant 80 : i32
    %barrier3A_56 = arith.constant 0 : index
    tpu.barrier barrier_id(%barrier3A_56)
    %mul3A_57 = arith.constant 10240 : i32
    %mul3A_58 = arith.muli %arg0, %mul3A_57 : i32
    %add3A_59 = arith.addi %mul3A_58, %mul3A_48 : i32
    "tpu.region"() ({
      %run_scoped3A = tpu.sem_alloc : memref<!tpu.dma_semaphore, #tpu.memory_space<semaphore_mem>>
      %dma_start3A = tpu.memref_slice %arg4[%add3A_59] : memref<20480xf32, #tpu.memory_space<hbm>> -> memref<640xf32, #tpu.memory_space<hbm>>
      %dma_start3A_60 = tpu.memref_slice %arg7[%mul3A_48] : memref<10240xf32, #tpu.memory_space<vmem_shared>> -> memref<640xf32, #tpu.memory_space<vmem_shared>>
      tpu.enqueue_dma source(%dma_start3A_60 : memref<640xf32, #tpu.memory_space<vmem_shared>>) target(%dma_start3A : memref<640xf32, #tpu.memory_space<hbm>>) target_semaphore(%run_scoped3A : memref<!tpu.dma_semaphore, #tpu.memory_space<semaphore_mem>>)
      %dma_wait3A = tpu.memref_slice %arg4[%add3A_59] : memref<20480xf32, #tpu.memory_space<hbm>> -> memref<640xf32, #tpu.memory_space<hbm>>
      %dma_wait3A_61 = tpu.memref_slice %arg7[%mul3A_48] : memref<10240xf32, #tpu.memory_space<vmem_shared>> -> memref<640xf32, #tpu.memory_space<vmem_shared>>
      tpu.wait_dma2 semaphore(%run_scoped3A : memref<!tpu.dma_semaphore, #tpu.memory_space<semaphore_mem>>) src(%dma_wait3A_61 : memref<640xf32, #tpu.memory_space<vmem_shared>>) dst(%dma_wait3A : memref<640xf32, #tpu.memory_space<hbm>>)
      tpu.yield
    }) : () -> ()
    return
  }
}

#map = affine_map<(d0, d1) -> (0)>
#map1 = affine_map<(d0, d1) -> (0, 0)>
module attributes {stable_mosaic.version = 14 : i64} {
  func.func @_sc_prop_body(%arg0: i32, %arg1: i32, %arg2: memref<327680xi32, #tpu.memory_space<hbm>>, %arg3: memref<327680xi32, #tpu.memory_space<hbm>>, %arg4: memref<10240x128xf32, #tpu.memory_space<hbm>>, %arg5: memref<10240x128xf32, #tpu.memory_space<hbm>>, %arg6: memref<20480x128xf32, #tpu.memory_space<hbm>>, %arg7: memref<128xi32, #tpu.memory_space<vmem>>, %arg8: memref<128xi32, #tpu.memory_space<vmem>>, %arg9: memref<128x128xf32, #tpu.memory_space<vmem>>, %arg10: memref<10240x128xf32, #tpu.memory_space<vmem_shared>>, %arg11: memref<!tpu.dma_semaphore, #tpu.memory_space<semaphore_mem>>) attributes {dimension_semantics = [#tpu.dimension_semantics<core_parallel>, #tpu.dimension_semantics<subcore_parallel>], iteration_bounds = array<i64: 2, 16>, scalar_prefetch = 0 : i64, scratch_operands = 5 : i64, tpu.core_type = #tpu.core_type<sc_vector_subcore>, window_params = [{transform_indices = #map}, {transform_indices = #map}, {transform_indices = #map1}, {transform_indices = #map1}, {transform_indices = #map1}]} {
    %mul3A = arith.constant 2 : i32
    %mul3A_0 = arith.muli %arg1, %mul3A : i32
    %add3A = arith.addi %mul3A_0, %arg0 : i32
    %mul3A_1 = arith.constant 640 : i32
    %mul3A_2 = arith.muli %arg1, %mul3A_1 : i32
    "tpu.region"() ({
      %run_scoped3A = tpu.sem_alloc : memref<!tpu.dma_semaphore, #tpu.memory_space<semaphore_mem>>
      %dma_start3A = arith.constant 0 : i32
      %dma_start3A_14 = tpu.memref_slice %arg10[%mul3A_2, %dma_start3A] : memref<10240x128xf32, #tpu.memory_space<vmem_shared>> -> memref<640x128xf32, #tpu.memory_space<vmem_shared>>
      %dma_start3A_15 = arith.constant 0 : i32
      %dma_start3A_16 = tpu.memref_slice %arg5[%mul3A_2, %dma_start3A_15] : memref<10240x128xf32, #tpu.memory_space<hbm>> -> memref<640x128xf32, #tpu.memory_space<hbm>>
      tpu.enqueue_dma source(%dma_start3A_16 : memref<640x128xf32, #tpu.memory_space<hbm>>) target(%dma_start3A_14 : memref<640x128xf32, #tpu.memory_space<vmem_shared>>) target_semaphore(%run_scoped3A : memref<!tpu.dma_semaphore, #tpu.memory_space<semaphore_mem>>)
      %dma_wait3A = arith.constant 0 : i32
      %dma_wait3A_17 = tpu.memref_slice %arg10[%mul3A_2, %dma_wait3A] : memref<10240x128xf32, #tpu.memory_space<vmem_shared>> -> memref<640x128xf32, #tpu.memory_space<vmem_shared>>
      %dma_wait3A_18 = arith.constant 0 : i32
      %dma_wait3A_19 = tpu.memref_slice %arg5[%mul3A_2, %dma_wait3A_18] : memref<10240x128xf32, #tpu.memory_space<hbm>> -> memref<640x128xf32, #tpu.memory_space<hbm>>
      tpu.wait_dma2 semaphore(%run_scoped3A : memref<!tpu.dma_semaphore, #tpu.memory_space<semaphore_mem>>) src(%dma_wait3A_19 : memref<640x128xf32, #tpu.memory_space<hbm>>) dst(%dma_wait3A_17 : memref<640x128xf32, #tpu.memory_space<vmem_shared>>)
      tpu.yield
    }) : () -> ()
    %barrier3A = arith.constant 0 : index
    tpu.barrier barrier_id(%barrier3A)
    %mul3A_3 = arith.constant 10240 : i32
    %mul3A_4 = arith.muli %add3A, %mul3A_3 : i32
    %scan3A = arith.constant 0 : i32
    %scan3A_5 = arith.constant 0 : i32
    %scan3A_6 = arith.constant 80 : i32
    %scan3A_7 = arith.addi %scan3A_5, %scan3A_6 : i32
    %scan3A_8 = arith.constant 1 : i32
    scf.for %scan3A_14 = %scan3A_5 to %scan3A_7 step %scan3A_8  : i32 {
      %mul3A_15 = arith.constant 128 : i32
      %mul3A_16 = arith.muli %scan3A_14, %mul3A_15 : i32
      %add3A_17 = arith.addi %mul3A_4, %mul3A_16 : i32
      %multiple_of3A = tpu.assume_multiple %add3A_17, 128 : i32
      "tpu.region"() ({
        %run_scoped3A = tpu.sem_alloc : memref<!tpu.dma_semaphore, #tpu.memory_space<semaphore_mem>>
        %dma_start3A_22 = tpu.memref_slice %arg2[%multiple_of3A] : memref<327680xi32, #tpu.memory_space<hbm>> -> memref<128xi32, #tpu.memory_space<hbm>>
        %dma_start3A_23 = tpu.memref_slice %arg2[%multiple_of3A] : memref<327680xi32, #tpu.memory_space<hbm>> -> memref<128xi32, #tpu.memory_space<hbm>>
        tpu.enqueue_dma source(%dma_start3A_23 : memref<128xi32, #tpu.memory_space<hbm>>) target(%arg7 : memref<128xi32, #tpu.memory_space<vmem>>) target_semaphore(%run_scoped3A : memref<!tpu.dma_semaphore, #tpu.memory_space<semaphore_mem>>)
        %dma_wait3A_24 = tpu.memref_slice %arg2[%multiple_of3A] : memref<327680xi32, #tpu.memory_space<hbm>> -> memref<128xi32, #tpu.memory_space<hbm>>
        %dma_wait3A_25 = tpu.memref_slice %arg2[%multiple_of3A] : memref<327680xi32, #tpu.memory_space<hbm>> -> memref<128xi32, #tpu.memory_space<hbm>>
        tpu.wait_dma2 semaphore(%run_scoped3A : memref<!tpu.dma_semaphore, #tpu.memory_space<semaphore_mem>>) src(%dma_wait3A_25 : memref<128xi32, #tpu.memory_space<hbm>>) dst(%arg7 : memref<128xi32, #tpu.memory_space<vmem>>)
        tpu.yield
      }) : () -> ()
      "tpu.region"() ({
        %run_scoped3A = tpu.sem_alloc : memref<!tpu.dma_semaphore, #tpu.memory_space<semaphore_mem>>
        %dma_start3A_22 = tpu.memref_slice %arg3[%multiple_of3A] : memref<327680xi32, #tpu.memory_space<hbm>> -> memref<128xi32, #tpu.memory_space<hbm>>
        %dma_start3A_23 = tpu.memref_slice %arg3[%multiple_of3A] : memref<327680xi32, #tpu.memory_space<hbm>> -> memref<128xi32, #tpu.memory_space<hbm>>
        tpu.enqueue_dma source(%dma_start3A_23 : memref<128xi32, #tpu.memory_space<hbm>>) target(%arg8 : memref<128xi32, #tpu.memory_space<vmem>>) target_semaphore(%run_scoped3A : memref<!tpu.dma_semaphore, #tpu.memory_space<semaphore_mem>>)
        %dma_wait3A_24 = tpu.memref_slice %arg3[%multiple_of3A] : memref<327680xi32, #tpu.memory_space<hbm>> -> memref<128xi32, #tpu.memory_space<hbm>>
        %dma_wait3A_25 = tpu.memref_slice %arg3[%multiple_of3A] : memref<327680xi32, #tpu.memory_space<hbm>> -> memref<128xi32, #tpu.memory_space<hbm>>
        tpu.wait_dma2 semaphore(%run_scoped3A : memref<!tpu.dma_semaphore, #tpu.memory_space<semaphore_mem>>) src(%dma_wait3A_25 : memref<128xi32, #tpu.memory_space<hbm>>) dst(%arg8 : memref<128xi32, #tpu.memory_space<vmem>>)
        tpu.yield
      }) : () -> ()
      %dma_start3A = arith.constant 0 : i32
      %dma_start3A_18 = arith.constant 0 : i32
      %dma_start3A_19 = tpu.memref_slice %arg4[%dma_start3A, %dma_start3A_18] : memref<10240x128xf32, #tpu.memory_space<hbm>> -> memref<10240x128xf32, #tpu.memory_space<hbm>>
      tpu.enqueue_indirect_dma source(%dma_start3A_19 : memref<10240x128xf32, #tpu.memory_space<hbm>>) target(%arg9 : memref<128x128xf32, #tpu.memory_space<vmem>>) offsets(%arg7 : memref<128xi32, #tpu.memory_space<vmem>>) semaphore(%arg11 : memref<!tpu.dma_semaphore, #tpu.memory_space<semaphore_mem>>)
      %dma_wait3A = arith.constant 0 : i32
      %dma_wait3A_20 = arith.constant 0 : i32
      %dma_wait3A_21 = tpu.memref_slice %arg4[%dma_wait3A, %dma_wait3A_20] : memref<10240x128xf32, #tpu.memory_space<hbm>> -> memref<10240x128xf32, #tpu.memory_space<hbm>>
      tpu.wait_indirect_dma semaphore(%arg11 : memref<!tpu.dma_semaphore, #tpu.memory_space<semaphore_mem>>) src(%dma_wait3A_21 : memref<10240x128xf32, #tpu.memory_space<hbm>>) dst(%arg9 : memref<128x128xf32, #tpu.memory_space<vmem>>)
      "tpu.region"() ({
        %run_scoped3A = tpu.sem_alloc : memref<!tpu.dma_semaphore, #tpu.memory_space<semaphore_mem>>
        %dma_start3A_22 = arith.constant 0 : i32
        %dma_start3A_23 = arith.constant 0 : i32
        %dma_start3A_24 = tpu.memref_slice %arg10[%dma_start3A_22, %dma_start3A_23] : memref<10240x128xf32, #tpu.memory_space<vmem_shared>> -> memref<10240x128xf32, #tpu.memory_space<vmem_shared>>
        tpu.enqueue_indirect_dma source(%arg9 : memref<128x128xf32, #tpu.memory_space<vmem>>) target(%dma_start3A_24 : memref<10240x128xf32, #tpu.memory_space<vmem_shared>>) offsets(%arg8 : memref<128xi32, #tpu.memory_space<vmem>>) semaphore(%run_scoped3A : memref<!tpu.dma_semaphore, #tpu.memory_space<semaphore_mem>>) {add = true}
        %dma_wait3A_25 = arith.constant 0 : i32
        %dma_wait3A_26 = arith.constant 0 : i32
        %dma_wait3A_27 = tpu.memref_slice %arg10[%dma_wait3A_25, %dma_wait3A_26] : memref<10240x128xf32, #tpu.memory_space<vmem_shared>> -> memref<10240x128xf32, #tpu.memory_space<vmem_shared>>
        tpu.wait_indirect_dma semaphore(%run_scoped3A : memref<!tpu.dma_semaphore, #tpu.memory_space<semaphore_mem>>) src(%arg9 : memref<128x128xf32, #tpu.memory_space<vmem>>) dst(%dma_wait3A_27 : memref<10240x128xf32, #tpu.memory_space<vmem_shared>>)
        tpu.yield
      }) : () -> ()
    }
    %scan3A_9 = arith.constant 80 : i32
    %barrier3A_10 = arith.constant 0 : index
    tpu.barrier barrier_id(%barrier3A_10)
    %mul3A_11 = arith.constant 10240 : i32
    %mul3A_12 = arith.muli %arg0, %mul3A_11 : i32
    %add3A_13 = arith.addi %mul3A_12, %mul3A_2 : i32
    "tpu.region"() ({
      %run_scoped3A = tpu.sem_alloc : memref<!tpu.dma_semaphore, #tpu.memory_space<semaphore_mem>>
      %dma_start3A = arith.constant 0 : i32
      %dma_start3A_14 = tpu.memref_slice %arg6[%add3A_13, %dma_start3A] : memref<20480x128xf32, #tpu.memory_space<hbm>> -> memref<640x128xf32, #tpu.memory_space<hbm>>
      %dma_start3A_15 = arith.constant 0 : i32
      %dma_start3A_16 = tpu.memref_slice %arg10[%mul3A_2, %dma_start3A_15] : memref<10240x128xf32, #tpu.memory_space<vmem_shared>> -> memref<640x128xf32, #tpu.memory_space<vmem_shared>>
      tpu.enqueue_dma source(%dma_start3A_16 : memref<640x128xf32, #tpu.memory_space<vmem_shared>>) target(%dma_start3A_14 : memref<640x128xf32, #tpu.memory_space<hbm>>) target_semaphore(%run_scoped3A : memref<!tpu.dma_semaphore, #tpu.memory_space<semaphore_mem>>)
      %dma_wait3A = arith.constant 0 : i32
      %dma_wait3A_17 = tpu.memref_slice %arg6[%add3A_13, %dma_wait3A] : memref<20480x128xf32, #tpu.memory_space<hbm>> -> memref<640x128xf32, #tpu.memory_space<hbm>>
      %dma_wait3A_18 = arith.constant 0 : i32
      %dma_wait3A_19 = tpu.memref_slice %arg10[%mul3A_2, %dma_wait3A_18] : memref<10240x128xf32, #tpu.memory_space<vmem_shared>> -> memref<640x128xf32, #tpu.memory_space<vmem_shared>>
      tpu.wait_dma2 semaphore(%run_scoped3A : memref<!tpu.dma_semaphore, #tpu.memory_space<semaphore_mem>>) src(%dma_wait3A_19 : memref<640x128xf32, #tpu.memory_space<vmem_shared>>) dst(%dma_wait3A_17 : memref<640x128xf32, #tpu.memory_space<hbm>>)
      tpu.yield
    }) : () -> ()
    return
  }
}

#map = affine_map<(d0, d1) -> (0)>
#map1 = affine_map<(d0, d1) -> (0, 0)>
module attributes {stable_mosaic.version = 14 : i64} {
  func.func @_sc_prop_body(%arg0: i32, %arg1: i32, %arg2: memref<327680xi32, #tpu.memory_space<hbm>>, %arg3: memref<327680xi32, #tpu.memory_space<hbm>>, %arg4: memref<10240x128xf32, #tpu.memory_space<hbm>>, %arg5: memref<10240x128xf32, #tpu.memory_space<hbm>>, %arg6: memref<20480x128xf32, #tpu.memory_space<hbm>>, %arg7: memref<128xi32, #tpu.memory_space<vmem>>, %arg8: memref<128xi32, #tpu.memory_space<vmem>>, %arg9: memref<128x128xf32, #tpu.memory_space<vmem>>, %arg10: memref<10240x128xf32, #tpu.memory_space<vmem_shared>>, %arg11: memref<!tpu.dma_semaphore, #tpu.memory_space<semaphore_mem>>) attributes {dimension_semantics = [#tpu.dimension_semantics<core_parallel>, #tpu.dimension_semantics<subcore_parallel>], iteration_bounds = array<i64: 2, 16>, scalar_prefetch = 0 : i64, scratch_operands = 5 : i64, tpu.core_type = #tpu.core_type<sc_vector_subcore>, window_params = [{transform_indices = #map}, {transform_indices = #map}, {transform_indices = #map1}, {transform_indices = #map1}, {transform_indices = #map1}]} {
    %mul3A = arith.constant 2 : i32
    %mul3A_0 = arith.muli %arg1, %mul3A : i32
    %add3A = arith.addi %mul3A_0, %arg0 : i32
    %mul3A_1 = arith.constant 640 : i32
    %mul3A_2 = arith.muli %arg1, %mul3A_1 : i32
    "tpu.region"() ({
      %run_scoped3A = tpu.sem_alloc : memref<!tpu.dma_semaphore, #tpu.memory_space<semaphore_mem>>
      %dma_start3A = arith.constant 0 : i32
      %dma_start3A_14 = tpu.memref_slice %arg10[%mul3A_2, %dma_start3A] : memref<10240x128xf32, #tpu.memory_space<vmem_shared>> -> memref<640x128xf32, #tpu.memory_space<vmem_shared>>
      %dma_start3A_15 = arith.constant 0 : i32
      %dma_start3A_16 = tpu.memref_slice %arg5[%mul3A_2, %dma_start3A_15] : memref<10240x128xf32, #tpu.memory_space<hbm>> -> memref<640x128xf32, #tpu.memory_space<hbm>>
      tpu.enqueue_dma source(%dma_start3A_16 : memref<640x128xf32, #tpu.memory_space<hbm>>) target(%dma_start3A_14 : memref<640x128xf32, #tpu.memory_space<vmem_shared>>) target_semaphore(%run_scoped3A : memref<!tpu.dma_semaphore, #tpu.memory_space<semaphore_mem>>)
      %dma_wait3A = arith.constant 0 : i32
      %dma_wait3A_17 = tpu.memref_slice %arg10[%mul3A_2, %dma_wait3A] : memref<10240x128xf32, #tpu.memory_space<vmem_shared>> -> memref<640x128xf32, #tpu.memory_space<vmem_shared>>
      %dma_wait3A_18 = arith.constant 0 : i32
      %dma_wait3A_19 = tpu.memref_slice %arg5[%mul3A_2, %dma_wait3A_18] : memref<10240x128xf32, #tpu.memory_space<hbm>> -> memref<640x128xf32, #tpu.memory_space<hbm>>
      tpu.wait_dma2 semaphore(%run_scoped3A : memref<!tpu.dma_semaphore, #tpu.memory_space<semaphore_mem>>) src(%dma_wait3A_19 : memref<640x128xf32, #tpu.memory_space<hbm>>) dst(%dma_wait3A_17 : memref<640x128xf32, #tpu.memory_space<vmem_shared>>)
      tpu.yield
    }) : () -> ()
    %barrier3A = arith.constant 0 : index
    tpu.barrier barrier_id(%barrier3A)
    %mul3A_3 = arith.constant 10240 : i32
    %mul3A_4 = arith.muli %add3A, %mul3A_3 : i32
    %scan3A = arith.constant 0 : i32
    %scan3A_5 = arith.constant 0 : i32
    %scan3A_6 = arith.constant 80 : i32
    %scan3A_7 = arith.addi %scan3A_5, %scan3A_6 : i32
    %scan3A_8 = arith.constant 1 : i32
    scf.for %scan3A_14 = %scan3A_5 to %scan3A_7 step %scan3A_8  : i32 {
      %mul3A_15 = arith.constant 128 : i32
      %mul3A_16 = arith.muli %scan3A_14, %mul3A_15 : i32
      %add3A_17 = arith.addi %mul3A_4, %mul3A_16 : i32
      %multiple_of3A = tpu.assume_multiple %add3A_17, 128 : i32
      "tpu.region"() ({
        %run_scoped3A = tpu.sem_alloc : memref<!tpu.dma_semaphore, #tpu.memory_space<semaphore_mem>>
        %dma_start3A_22 = tpu.memref_slice %arg2[%multiple_of3A] : memref<327680xi32, #tpu.memory_space<hbm>> -> memref<128xi32, #tpu.memory_space<hbm>>
        %dma_start3A_23 = tpu.memref_slice %arg2[%multiple_of3A] : memref<327680xi32, #tpu.memory_space<hbm>> -> memref<128xi32, #tpu.memory_space<hbm>>
        tpu.enqueue_dma source(%dma_start3A_23 : memref<128xi32, #tpu.memory_space<hbm>>) target(%arg7 : memref<128xi32, #tpu.memory_space<vmem>>) target_semaphore(%run_scoped3A : memref<!tpu.dma_semaphore, #tpu.memory_space<semaphore_mem>>)
        %dma_wait3A_24 = tpu.memref_slice %arg2[%multiple_of3A] : memref<327680xi32, #tpu.memory_space<hbm>> -> memref<128xi32, #tpu.memory_space<hbm>>
        %dma_wait3A_25 = tpu.memref_slice %arg2[%multiple_of3A] : memref<327680xi32, #tpu.memory_space<hbm>> -> memref<128xi32, #tpu.memory_space<hbm>>
        tpu.wait_dma2 semaphore(%run_scoped3A : memref<!tpu.dma_semaphore, #tpu.memory_space<semaphore_mem>>) src(%dma_wait3A_25 : memref<128xi32, #tpu.memory_space<hbm>>) dst(%arg7 : memref<128xi32, #tpu.memory_space<vmem>>)
        tpu.yield
      }) : () -> ()
      "tpu.region"() ({
        %run_scoped3A = tpu.sem_alloc : memref<!tpu.dma_semaphore, #tpu.memory_space<semaphore_mem>>
        %dma_start3A_22 = tpu.memref_slice %arg3[%multiple_of3A] : memref<327680xi32, #tpu.memory_space<hbm>> -> memref<128xi32, #tpu.memory_space<hbm>>
        %dma_start3A_23 = tpu.memref_slice %arg3[%multiple_of3A] : memref<327680xi32, #tpu.memory_space<hbm>> -> memref<128xi32, #tpu.memory_space<hbm>>
        tpu.enqueue_dma source(%dma_start3A_23 : memref<128xi32, #tpu.memory_space<hbm>>) target(%arg8 : memref<128xi32, #tpu.memory_space<vmem>>) target_semaphore(%run_scoped3A : memref<!tpu.dma_semaphore, #tpu.memory_space<semaphore_mem>>)
        %dma_wait3A_24 = tpu.memref_slice %arg3[%multiple_of3A] : memref<327680xi32, #tpu.memory_space<hbm>> -> memref<128xi32, #tpu.memory_space<hbm>>
        %dma_wait3A_25 = tpu.memref_slice %arg3[%multiple_of3A] : memref<327680xi32, #tpu.memory_space<hbm>> -> memref<128xi32, #tpu.memory_space<hbm>>
        tpu.wait_dma2 semaphore(%run_scoped3A : memref<!tpu.dma_semaphore, #tpu.memory_space<semaphore_mem>>) src(%dma_wait3A_25 : memref<128xi32, #tpu.memory_space<hbm>>) dst(%arg8 : memref<128xi32, #tpu.memory_space<vmem>>)
        tpu.yield
      }) : () -> ()
      %dma_start3A = arith.constant 0 : i32
      %dma_start3A_18 = arith.constant 0 : i32
      %dma_start3A_19 = tpu.memref_slice %arg4[%dma_start3A, %dma_start3A_18] : memref<10240x128xf32, #tpu.memory_space<hbm>> -> memref<10240x128xf32, #tpu.memory_space<hbm>>
      tpu.enqueue_indirect_dma source(%dma_start3A_19 : memref<10240x128xf32, #tpu.memory_space<hbm>>) target(%arg9 : memref<128x128xf32, #tpu.memory_space<vmem>>) offsets(%arg7 : memref<128xi32, #tpu.memory_space<vmem>>) semaphore(%arg11 : memref<!tpu.dma_semaphore, #tpu.memory_space<semaphore_mem>>)
      %dma_wait3A = arith.constant 0 : i32
      %dma_wait3A_20 = arith.constant 0 : i32
      %dma_wait3A_21 = tpu.memref_slice %arg4[%dma_wait3A, %dma_wait3A_20] : memref<10240x128xf32, #tpu.memory_space<hbm>> -> memref<10240x128xf32, #tpu.memory_space<hbm>>
      tpu.wait_indirect_dma semaphore(%arg11 : memref<!tpu.dma_semaphore, #tpu.memory_space<semaphore_mem>>) src(%dma_wait3A_21 : memref<10240x128xf32, #tpu.memory_space<hbm>>) dst(%arg9 : memref<128x128xf32, #tpu.memory_space<vmem>>)
      "tpu.region"() ({
        %run_scoped3A = tpu.sem_alloc : memref<!tpu.dma_semaphore, #tpu.memory_space<semaphore_mem>>
        %dma_start3A_22 = arith.constant 0 : i32
        %dma_start3A_23 = arith.constant 0 : i32
        %dma_start3A_24 = tpu.memref_slice %arg10[%dma_start3A_22, %dma_start3A_23] : memref<10240x128xf32, #tpu.memory_space<vmem_shared>> -> memref<10240x128xf32, #tpu.memory_space<vmem_shared>>
        tpu.enqueue_indirect_dma source(%arg9 : memref<128x128xf32, #tpu.memory_space<vmem>>) target(%dma_start3A_24 : memref<10240x128xf32, #tpu.memory_space<vmem_shared>>) offsets(%arg8 : memref<128xi32, #tpu.memory_space<vmem>>) semaphore(%run_scoped3A : memref<!tpu.dma_semaphore, #tpu.memory_space<semaphore_mem>>) {add = true}
        %dma_wait3A_25 = arith.constant 0 : i32
        %dma_wait3A_26 = arith.constant 0 : i32
        %dma_wait3A_27 = tpu.memref_slice %arg10[%dma_wait3A_25, %dma_wait3A_26] : memref<10240x128xf32, #tpu.memory_space<vmem_shared>> -> memref<10240x128xf32, #tpu.memory_space<vmem_shared>>
        tpu.wait_indirect_dma semaphore(%run_scoped3A : memref<!tpu.dma_semaphore, #tpu.memory_space<semaphore_mem>>) src(%arg9 : memref<128x128xf32, #tpu.memory_space<vmem>>) dst(%dma_wait3A_27 : memref<10240x128xf32, #tpu.memory_space<vmem_shared>>)
        tpu.yield
      }) : () -> ()
    }
    %scan3A_9 = arith.constant 80 : i32
    %barrier3A_10 = arith.constant 0 : index
    tpu.barrier barrier_id(%barrier3A_10)
    %mul3A_11 = arith.constant 10240 : i32
    %mul3A_12 = arith.muli %arg0, %mul3A_11 : i32
    %add3A_13 = arith.addi %mul3A_12, %mul3A_2 : i32
    "tpu.region"() ({
      %run_scoped3A = tpu.sem_alloc : memref<!tpu.dma_semaphore, #tpu.memory_space<semaphore_mem>>
      %dma_start3A = arith.constant 0 : i32
      %dma_start3A_14 = tpu.memref_slice %arg6[%add3A_13, %dma_start3A] : memref<20480x128xf32, #tpu.memory_space<hbm>> -> memref<640x128xf32, #tpu.memory_space<hbm>>
      %dma_start3A_15 = arith.constant 0 : i32
      %dma_start3A_16 = tpu.memref_slice %arg10[%mul3A_2, %dma_start3A_15] : memref<10240x128xf32, #tpu.memory_space<vmem_shared>> -> memref<640x128xf32, #tpu.memory_space<vmem_shared>>
      tpu.enqueue_dma source(%dma_start3A_16 : memref<640x128xf32, #tpu.memory_space<vmem_shared>>) target(%dma_start3A_14 : memref<640x128xf32, #tpu.memory_space<hbm>>) target_semaphore(%run_scoped3A : memref<!tpu.dma_semaphore, #tpu.memory_space<semaphore_mem>>)
      %dma_wait3A = arith.constant 0 : i32
      %dma_wait3A_17 = tpu.memref_slice %arg6[%add3A_13, %dma_wait3A] : memref<20480x128xf32, #tpu.memory_space<hbm>> -> memref<640x128xf32, #tpu.memory_space<hbm>>
      %dma_wait3A_18 = arith.constant 0 : i32
      %dma_wait3A_19 = tpu.memref_slice %arg10[%mul3A_2, %dma_wait3A_18] : memref<10240x128xf32, #tpu.memory_space<vmem_shared>> -> memref<640x128xf32, #tpu.memory_space<vmem_shared>>
      tpu.wait_dma2 semaphore(%run_scoped3A : memref<!tpu.dma_semaphore, #tpu.memory_space<semaphore_mem>>) src(%dma_wait3A_19 : memref<640x128xf32, #tpu.memory_space<vmem_shared>>) dst(%dma_wait3A_17 : memref<640x128xf32, #tpu.memory_space<hbm>>)
      tpu.yield
    }) : () -> ()
    return
  }
}

module attributes {stable_mosaic.version = 14 : i64} {
  func.func @_mm1_body(%arg0: i32, %arg1: memref<1024x128xf32, #tpu.memory_space<vmem>>, %arg2: memref<1024x128xf32, #tpu.memory_space<vmem>>, %arg3: memref<128x128xf32, #tpu.memory_space<vmem>>, %arg4: memref<1x128xf32, #tpu.memory_space<vmem>>, %arg5: memref<128x128xf32, #tpu.memory_space<vmem>>, %arg6: memref<1x128xf32, #tpu.memory_space<vmem>>, %arg7: memref<128x128xf32, #tpu.memory_space<vmem>>, %arg8: memref<128x128xf32, #tpu.memory_space<vmem>>, %arg9: memref<1024x128xf32, #tpu.memory_space<vmem>>) attributes {dimension_semantics = [#tpu.dimension_semantics<arbitrary>], iteration_bounds = array<i64: 10>, scalar_prefetch = 0 : i64, scratch_operands = 0 : i64, tpu.core_type = #tpu.core_type<tc>, window_params = [{transform_indices = @transform_0, window_bounds = array<i64: 1024, 128>}, {transform_indices = @transform_1, window_bounds = array<i64: 1024, 128>}, {pipeline_mode = #tpu.pipeline_mode<synchronous>, transform_indices = @transform_2, window_bounds = array<i64: 128, 128>}, {pipeline_mode = #tpu.pipeline_mode<synchronous>, transform_indices = @transform_3, window_bounds = array<i64: 1, 128>}, {pipeline_mode = #tpu.pipeline_mode<synchronous>, transform_indices = @transform_4, window_bounds = array<i64: 128, 128>}, {pipeline_mode = #tpu.pipeline_mode<synchronous>, transform_indices = @transform_5, window_bounds = array<i64: 1, 128>}, {pipeline_mode = #tpu.pipeline_mode<synchronous>, transform_indices = @transform_6, window_bounds = array<i64: 128, 128>}, {pipeline_mode = #tpu.pipeline_mode<synchronous>, transform_indices = @transform_7, window_bounds = array<i64: 128, 128>}, {transform_indices = @transform_8, window_bounds = array<i64: 1024, 128>}]} {
    %get3A = arith.constant 0 : index
    %get3A_0 = arith.constant 0 : index
    %get3A_1 = vector.load %arg1[%get3A, %get3A_0] : memref<1024x128xf32, #tpu.memory_space<vmem>>, vector<1024x128xf32>
    %get3A_2 = arith.constant 0 : index
    %get3A_3 = arith.constant 0 : index
    %get3A_4 = vector.load %arg3[%get3A_2, %get3A_3] : memref<128x128xf32, #tpu.memory_space<vmem>>, vector<128x128xf32>
    %dot_general3A = arith.constant dense<0.000000e+00> : vector<1024x128xf32>
    %dot_general3A_5 = tpu.matmul %get3A_1, %get3A_4, %dot_general3A {dimension_numbers = #tpu.dot_dimension_numbers<[1], [0], [0], [1], [0, 0, 1, 1], [], []>, transpose_lhs_hint = false} : vector<1024x128xf32>, vector<128x128xf32>, vector<1024x128xf32> -> vector<1024x128xf32>
    %get3A_6 = arith.constant 0 : index
    %get3A_7 = arith.constant 0 : index
    %get3A_8 = vector.load %arg4[%get3A_6, %get3A_7] : memref<1x128xf32, #tpu.memory_space<vmem>>, vector<1x128xf32>
    %add3A = vector.broadcast %get3A_8 : vector<1x128xf32> to vector<1024x128xf32>
    %add3A_9 = arith.addf %dot_general3A_5, %add3A : vector<1024x128xf32>
    %get3A_10 = arith.constant 0 : index
    %get3A_11 = arith.constant 0 : index
    %get3A_12 = vector.load %arg2[%get3A_10, %get3A_11] : memref<1024x128xf32, #tpu.memory_space<vmem>>, vector<1024x128xf32>
    %get3A_13 = arith.constant 0 : index
    %get3A_14 = arith.constant 0 : index
    %get3A_15 = vector.load %arg5[%get3A_13, %get3A_14] : memref<128x128xf32, #tpu.memory_space<vmem>>, vector<128x128xf32>
    %dot_general3A_16 = arith.constant dense<0.000000e+00> : vector<1024x128xf32>
    %dot_general3A_17 = tpu.matmul %get3A_12, %get3A_15, %dot_general3A_16 {dimension_numbers = #tpu.dot_dimension_numbers<[1], [0], [0], [1], [0, 0, 1, 1], [], []>, transpose_lhs_hint = false} : vector<1024x128xf32>, vector<128x128xf32>, vector<1024x128xf32> -> vector<1024x128xf32>
    %get3A_18 = arith.constant 0 : index
    %get3A_19 = arith.constant 0 : index
    %get3A_20 = vector.load %arg6[%get3A_18, %get3A_19] : memref<1x128xf32, #tpu.memory_space<vmem>>, vector<1x128xf32>
    %add3A_21 = vector.broadcast %get3A_20 : vector<1x128xf32> to vector<1024x128xf32>
    %add3A_22 = arith.addf %dot_general3A_17, %add3A_21 : vector<1024x128xf32>
    %get3A_23 = arith.constant 0 : index
    %get3A_24 = arith.constant 0 : index
    %get3A_25 = vector.load %arg7[%get3A_23, %get3A_24] : memref<128x128xf32, #tpu.memory_space<vmem>>, vector<128x128xf32>
    %dot_general3A_26 = arith.constant dense<0.000000e+00> : vector<1024x128xf32>
    %dot_general3A_27 = tpu.matmul %add3A_9, %get3A_25, %dot_general3A_26 {dimension_numbers = #tpu.dot_dimension_numbers<[1], [0], [0], [1], [0, 0, 1, 1], [], []>, transpose_lhs_hint = false} : vector<1024x128xf32>, vector<128x128xf32>, vector<1024x128xf32> -> vector<1024x128xf32>
    %get3A_28 = arith.constant 0 : index
    %get3A_29 = arith.constant 0 : index
    %get3A_30 = vector.load %arg8[%get3A_28, %get3A_29] : memref<128x128xf32, #tpu.memory_space<vmem>>, vector<128x128xf32>
    %dot_general3A_31 = arith.constant dense<0.000000e+00> : vector<1024x128xf32>
    %dot_general3A_32 = tpu.matmul %add3A_22, %get3A_30, %dot_general3A_31 {dimension_numbers = #tpu.dot_dimension_numbers<[1], [0], [0], [1], [0, 0, 1, 1], [], []>, transpose_lhs_hint = false} : vector<1024x128xf32>, vector<128x128xf32>, vector<1024x128xf32> -> vector<1024x128xf32>
    %add3A_33 = arith.addf %dot_general3A_27, %dot_general3A_32 : vector<1024x128xf32>
    %swap3A = arith.constant 0 : index
    %swap3A_34 = arith.constant 0 : index
    %swap3A_35 = vector.load %arg9[%swap3A, %swap3A_34] : memref<1024x128xf32, #tpu.memory_space<vmem>>, vector<1024x128xf32>
    tpu.vector_store %arg9[%swap3A, %swap3A_34], %add3A_33 {strides = array<i32>} : memref<1024x128xf32, #tpu.memory_space<vmem>>, vector<1024x128xf32>,
    return
  }
  func.func @transform_0(%arg0: i32) -> (i32, i32) {
    %c0_i32 = arith.constant 0 : i32
    %c0_i32_0 = arith.constant 0 : i32
    return %arg0, %c0_i32 : i32, i32
  }
  func.func @transform_1(%arg0: i32) -> (i32, i32) {
    %c0_i32 = arith.constant 0 : i32
    %c0_i32_0 = arith.constant 0 : i32
    return %arg0, %c0_i32 : i32, i32
  }
  func.func @transform_2(%arg0: i32) -> (i32, i32) {
    %c0_i32 = arith.constant 0 : i32
    %c0_i32_0 = arith.constant 0 : i32
    %c0_i32_1 = arith.constant 0 : i32
    return %c0_i32, %c0_i32_0 : i32, i32
  }
  func.func @transform_3(%arg0: i32) -> (i32, i32) {
    %c0_i32 = arith.constant 0 : i32
    %c0_i32_0 = arith.constant 0 : i32
    %c0_i32_1 = arith.constant 0 : i32
    return %c0_i32, %c0_i32_0 : i32, i32
  }
  func.func @transform_4(%arg0: i32) -> (i32, i32) {
    %c0_i32 = arith.constant 0 : i32
    %c0_i32_0 = arith.constant 0 : i32
    %c0_i32_1 = arith.constant 0 : i32
    return %c0_i32, %c0_i32_0 : i32, i32
  }
  func.func @transform_5(%arg0: i32) -> (i32, i32) {
    %c0_i32 = arith.constant 0 : i32
    %c0_i32_0 = arith.constant 0 : i32
    %c0_i32_1 = arith.constant 0 : i32
    return %c0_i32, %c0_i32_0 : i32, i32
  }
  func.func @transform_6(%arg0: i32) -> (i32, i32) {
    %c0_i32 = arith.constant 0 : i32
    %c0_i32_0 = arith.constant 0 : i32
    %c0_i32_1 = arith.constant 0 : i32
    return %c0_i32, %c0_i32_0 : i32, i32
  }
  func.func @transform_7(%arg0: i32) -> (i32, i32) {
    %c0_i32 = arith.constant 0 : i32
    %c0_i32_0 = arith.constant 0 : i32
    %c0_i32_1 = arith.constant 0 : i32
    return %c0_i32, %c0_i32_0 : i32, i32
  }
  func.func @transform_8(%arg0: i32) -> (i32, i32) {
    %c0_i32 = arith.constant 0 : i32
    %c0_i32_0 = arith.constant 0 : i32
    return %arg0, %c0_i32 : i32, i32
  }
}

module attributes {stable_mosaic.version = 14 : i64} {
  func.func @_scale_body(%arg0: i32, %arg1: memref<1024x1xf32, #tpu.memory_space<vmem>>, %arg2: memref<1024x1xf32, #tpu.memory_space<vmem>>, %arg3: memref<1024x128xf32, #tpu.memory_space<vmem>>, %arg4: memref<1024x128xf32, #tpu.memory_space<vmem>>, %arg5: memref<1024x1xf32, #tpu.memory_space<vmem>>, %arg6: memref<1024x1xf32, #tpu.memory_space<vmem>>) attributes {dimension_semantics = [#tpu.dimension_semantics<arbitrary>], iteration_bounds = array<i64: 10>, scalar_prefetch = 0 : i64, scratch_operands = 0 : i64, tpu.core_type = #tpu.core_type<tc>, window_params = [{transform_indices = @transform_0, window_bounds = array<i64: 1024, 1>}, {transform_indices = @transform_1, window_bounds = array<i64: 1024, 1>}, {transform_indices = @transform_2, window_bounds = array<i64: 1024, 128>}, {transform_indices = @transform_3, window_bounds = array<i64: 1024, 128>}, {transform_indices = @transform_4, window_bounds = array<i64: 1024, 1>}, {transform_indices = @transform_5, window_bounds = array<i64: 1024, 1>}]} {
    %get3A = arith.constant 0 : index
    %get3A_0 = arith.constant 0 : index
    %get3A_1 = vector.load %arg1[%get3A, %get3A_0] : memref<1024x1xf32, #tpu.memory_space<vmem>>, vector<1024x1xf32>
    %get3A_2 = arith.constant 0 : index
    %get3A_3 = arith.constant 0 : index
    %get3A_4 = vector.load %arg2[%get3A_2, %get3A_3] : memref<1024x1xf32, #tpu.memory_space<vmem>>, vector<1024x1xf32>
    %add3A = arith.addf %get3A_1, %get3A_4 : vector<1024x1xf32>
    %add3A_5 = arith.constant 1.000000e+00 : f32
    %add3A_6 = vector.broadcast %add3A_5 : f32 to vector<1024x1xf32>
    %add3A_7 = arith.addf %add3A, %add3A_6 : vector<1024x1xf32>
    %rsqrt3A = math.rsqrt %add3A_7 : vector<1024x1xf32>
    %swap3A = arith.constant 0 : index
    %swap3A_8 = arith.constant 0 : index
    %swap3A_9 = vector.load %arg5[%swap3A, %swap3A_8] : memref<1024x1xf32, #tpu.memory_space<vmem>>, vector<1024x1xf32>
    tpu.vector_store %arg5[%swap3A, %swap3A_8], %rsqrt3A {strides = array<i32>} : memref<1024x1xf32, #tpu.memory_space<vmem>>, vector<1024x1xf32>,
    %mul3A = arith.mulf %rsqrt3A, %rsqrt3A : vector<1024x1xf32>
    %swap3A_10 = arith.constant 0 : index
    %swap3A_11 = arith.constant 0 : index
    %swap3A_12 = vector.load %arg6[%swap3A_10, %swap3A_11] : memref<1024x1xf32, #tpu.memory_space<vmem>>, vector<1024x1xf32>
    tpu.vector_store %arg6[%swap3A_10, %swap3A_11], %mul3A {strides = array<i32>} : memref<1024x1xf32, #tpu.memory_space<vmem>>, vector<1024x1xf32>,
    %get3A_13 = arith.constant 0 : index
    %get3A_14 = arith.constant 0 : index
    %get3A_15 = vector.load %arg3[%get3A_13, %get3A_14] : memref<1024x128xf32, #tpu.memory_space<vmem>>, vector<1024x128xf32>
    %mul3A_16 = vector.broadcast %rsqrt3A : vector<1024x1xf32> to vector<1024x128xf32>
    %mul3A_17 = arith.mulf %get3A_15, %mul3A_16 : vector<1024x128xf32>
    %swap3A_18 = arith.constant 0 : index
    %swap3A_19 = arith.constant 0 : index
    %swap3A_20 = vector.load %arg4[%swap3A_18, %swap3A_19] : memref<1024x128xf32, #tpu.memory_space<vmem>>, vector<1024x128xf32>
    tpu.vector_store %arg4[%swap3A_18, %swap3A_19], %mul3A_17 {strides = array<i32>} : memref<1024x128xf32, #tpu.memory_space<vmem>>, vector<1024x128xf32>,
    return
  }
  func.func @transform_0(%arg0: i32) -> (i32, i32) {
    %c0_i32 = arith.constant 0 : i32
    %c0_i32_0 = arith.constant 0 : i32
    return %arg0, %c0_i32 : i32, i32
  }
  func.func @transform_1(%arg0: i32) -> (i32, i32) {
    %c0_i32 = arith.constant 0 : i32
    %c0_i32_0 = arith.constant 0 : i32
    return %arg0, %c0_i32 : i32, i32
  }
  func.func @transform_2(%arg0: i32) -> (i32, i32) {
    %c0_i32 = arith.constant 0 : i32
    %c0_i32_0 = arith.constant 0 : i32
    return %arg0, %c0_i32 : i32, i32
  }
  func.func @transform_3(%arg0: i32) -> (i32, i32) {
    %c0_i32 = arith.constant 0 : i32
    %c0_i32_0 = arith.constant 0 : i32
    return %arg0, %c0_i32 : i32, i32
  }
  func.func @transform_4(%arg0: i32) -> (i32, i32) {
    %c0_i32 = arith.constant 0 : i32
    %c0_i32_0 = arith.constant 0 : i32
    return %arg0, %c0_i32 : i32, i32
  }
  func.func @transform_5(%arg0: i32) -> (i32, i32) {
    %c0_i32 = arith.constant 0 : i32
    %c0_i32_0 = arith.constant 0 : i32
    return %arg0, %c0_i32 : i32, i32
  }
}

module attributes {stable_mosaic.version = 14 : i64} {
  func.func @_hq_body(%arg0: i32, %arg1: memref<1024x128xf32, #tpu.memory_space<vmem>>, %arg2: memref<1024x128xf32, #tpu.memory_space<vmem>>, %arg3: memref<1024x128xf32, #tpu.memory_space<vmem>>, %arg4: memref<1024x1xf32, #tpu.memory_space<vmem>>, %arg5: memref<1024x1xf32, #tpu.memory_space<vmem>>, %arg6: memref<1x128xf32, #tpu.memory_space<vmem>>, %arg7: memref<1024x128xf32, #tpu.memory_space<vmem>>, %arg8: memref<1024x128xf32, #tpu.memory_space<vmem>>) attributes {dimension_semantics = [#tpu.dimension_semantics<arbitrary>], iteration_bounds = array<i64: 10>, scalar_prefetch = 0 : i64, scratch_operands = 0 : i64, tpu.core_type = #tpu.core_type<tc>, window_params = [{transform_indices = @transform_0, window_bounds = array<i64: 1024, 128>}, {transform_indices = @transform_1, window_bounds = array<i64: 1024, 128>}, {transform_indices = @transform_2, window_bounds = array<i64: 1024, 128>}, {transform_indices = @transform_3, window_bounds = array<i64: 1024, 1>}, {transform_indices = @transform_4, window_bounds = array<i64: 1024, 1>}, {pipeline_mode = #tpu.pipeline_mode<synchronous>, transform_indices = @transform_5, window_bounds = array<i64: 1, 128>}, {transform_indices = @transform_6, window_bounds = array<i64: 1024, 128>}, {transform_indices = @transform_7, window_bounds = array<i64: 1024, 128>}]} {
    %get3A = arith.constant 0 : index
    %get3A_0 = arith.constant 0 : index
    %get3A_1 = vector.load %arg1[%get3A, %get3A_0] : memref<1024x128xf32, #tpu.memory_space<vmem>>, vector<1024x128xf32>
    %get3A_2 = arith.constant 0 : index
    %get3A_3 = arith.constant 0 : index
    %get3A_4 = vector.load %arg2[%get3A_2, %get3A_3] : memref<1024x128xf32, #tpu.memory_space<vmem>>, vector<1024x128xf32>
    %add3A = arith.addf %get3A_1, %get3A_4 : vector<1024x128xf32>
    %get3A_5 = arith.constant 0 : index
    %get3A_6 = arith.constant 0 : index
    %get3A_7 = vector.load %arg4[%get3A_5, %get3A_6] : memref<1024x1xf32, #tpu.memory_space<vmem>>, vector<1024x1xf32>
    %mul3A = vector.broadcast %get3A_7 : vector<1024x1xf32> to vector<1024x128xf32>
    %mul3A_8 = arith.mulf %add3A, %mul3A : vector<1024x128xf32>
    %get3A_9 = arith.constant 0 : index
    %get3A_10 = arith.constant 0 : index
    %get3A_11 = vector.load %arg3[%get3A_9, %get3A_10] : memref<1024x128xf32, #tpu.memory_space<vmem>>, vector<1024x128xf32>
    %get3A_12 = arith.constant 0 : index
    %get3A_13 = arith.constant 0 : index
    %get3A_14 = vector.load %arg5[%get3A_12, %get3A_13] : memref<1024x1xf32, #tpu.memory_space<vmem>>, vector<1024x1xf32>
    %mul3A_15 = vector.broadcast %get3A_14 : vector<1024x1xf32> to vector<1024x128xf32>
    %mul3A_16 = arith.mulf %get3A_11, %mul3A_15 : vector<1024x128xf32>
    %add3A_17 = arith.addf %mul3A_8, %mul3A_16 : vector<1024x128xf32>
    %get3A_18 = arith.constant 0 : index
    %get3A_19 = arith.constant 0 : index
    %get3A_20 = vector.load %arg6[%get3A_18, %get3A_19] : memref<1x128xf32, #tpu.memory_space<vmem>>, vector<1x128xf32>
    %add3A_21 = vector.broadcast %get3A_20 : vector<1x128xf32> to vector<1024x128xf32>
    %add3A_22 = arith.addf %add3A_17, %add3A_21 : vector<1024x128xf32>
    %max3A = arith.constant 0.000000e+00 : f32
    %max3A_23 = vector.broadcast %max3A : f32 to vector<1024x128xf32>
    %max3A_24 = arith.maximumf %add3A_22, %max3A_23 : vector<1024x128xf32>
    %swap3A = arith.constant 0 : index
    %swap3A_25 = arith.constant 0 : index
    %swap3A_26 = vector.load %arg7[%swap3A, %swap3A_25] : memref<1024x128xf32, #tpu.memory_space<vmem>>, vector<1024x128xf32>
    tpu.vector_store %arg7[%swap3A, %swap3A_25], %max3A_24 {strides = array<i32>} : memref<1024x128xf32, #tpu.memory_space<vmem>>, vector<1024x128xf32>,
    %get3A_27 = arith.constant 0 : index
    %get3A_28 = arith.constant 0 : index
    %get3A_29 = vector.load %arg4[%get3A_27, %get3A_28] : memref<1024x1xf32, #tpu.memory_space<vmem>>, vector<1024x1xf32>
    %mul3A_30 = vector.broadcast %get3A_29 : vector<1024x1xf32> to vector<1024x128xf32>
    %mul3A_31 = arith.mulf %max3A_24, %mul3A_30 : vector<1024x128xf32>
    %swap3A_32 = arith.constant 0 : index
    %swap3A_33 = arith.constant 0 : index
    %swap3A_34 = vector.load %arg8[%swap3A_32, %swap3A_33] : memref<1024x128xf32, #tpu.memory_space<vmem>>, vector<1024x128xf32>
    tpu.vector_store %arg8[%swap3A_32, %swap3A_33], %mul3A_31 {strides = array<i32>} : memref<1024x128xf32, #tpu.memory_space<vmem>>, vector<1024x128xf32>,
    return
  }
  func.func @transform_0(%arg0: i32) -> (i32, i32) {
    %c0_i32 = arith.constant 0 : i32
    %c0_i32_0 = arith.constant 0 : i32
    return %arg0, %c0_i32 : i32, i32
  }
  func.func @transform_1(%arg0: i32) -> (i32, i32) {
    %c0_i32 = arith.constant 0 : i32
    %c0_i32_0 = arith.constant 0 : i32
    return %arg0, %c0_i32 : i32, i32
  }
  func.func @transform_2(%arg0: i32) -> (i32, i32) {
    %c0_i32 = arith.constant 0 : i32
    %c0_i32_0 = arith.constant 0 : i32
    return %arg0, %c0_i32 : i32, i32
  }
  func.func @transform_3(%arg0: i32) -> (i32, i32) {
    %c0_i32 = arith.constant 0 : i32
    %c0_i32_0 = arith.constant 0 : i32
    return %arg0, %c0_i32 : i32, i32
  }
  func.func @transform_4(%arg0: i32) -> (i32, i32) {
    %c0_i32 = arith.constant 0 : i32
    %c0_i32_0 = arith.constant 0 : i32
    return %arg0, %c0_i32 : i32, i32
  }
  func.func @transform_5(%arg0: i32) -> (i32, i32) {
    %c0_i32 = arith.constant 0 : i32
    %c0_i32_0 = arith.constant 0 : i32
    %c0_i32_1 = arith.constant 0 : i32
    return %c0_i32, %c0_i32_0 : i32, i32
  }
  func.func @transform_6(%arg0: i32) -> (i32, i32) {
    %c0_i32 = arith.constant 0 : i32
    %c0_i32_0 = arith.constant 0 : i32
    return %arg0, %c0_i32 : i32, i32
  }
  func.func @transform_7(%arg0: i32) -> (i32, i32) {
    %c0_i32 = arith.constant 0 : i32
    %c0_i32_0 = arith.constant 0 : i32
    return %arg0, %c0_i32 : i32, i32
  }
}

module attributes {stable_mosaic.version = 14 : i64} {
  func.func @_out_body(%arg0: i32, %arg1: memref<1024x128xf32, #tpu.memory_space<vmem>>, %arg2: memref<1024x128xf32, #tpu.memory_space<vmem>>, %arg3: memref<1024x128xf32, #tpu.memory_space<vmem>>, %arg4: memref<1024x1xf32, #tpu.memory_space<vmem>>, %arg5: memref<1024x1xf32, #tpu.memory_space<vmem>>, %arg6: memref<128x64xf32, #tpu.memory_space<vmem>>, %arg7: memref<1x64xf32, #tpu.memory_space<vmem>>, %arg8: memref<128x64xf32, #tpu.memory_space<vmem>>, %arg9: memref<1x64xf32, #tpu.memory_space<vmem>>, %arg10: memref<1024x64xf32, #tpu.memory_space<vmem>>, %arg11: memref<1024x64xf32, #tpu.memory_space<vmem>>) attributes {dimension_semantics = [#tpu.dimension_semantics<arbitrary>], iteration_bounds = array<i64: 10>, scalar_prefetch = 0 : i64, scratch_operands = 0 : i64, tpu.core_type = #tpu.core_type<tc>, window_params = [{transform_indices = @transform_0, window_bounds = array<i64: 1024, 128>}, {transform_indices = @transform_1, window_bounds = array<i64: 1024, 128>}, {transform_indices = @transform_2, window_bounds = array<i64: 1024, 128>}, {transform_indices = @transform_3, window_bounds = array<i64: 1024, 1>}, {transform_indices = @transform_4, window_bounds = array<i64: 1024, 1>}, {pipeline_mode = #tpu.pipeline_mode<synchronous>, transform_indices = @transform_5, window_bounds = array<i64: 128, 64>}, {pipeline_mode = #tpu.pipeline_mode<synchronous>, transform_indices = @transform_6, window_bounds = array<i64: 1, 64>}, {pipeline_mode = #tpu.pipeline_mode<synchronous>, transform_indices = @transform_7, window_bounds = array<i64: 128, 64>}, {pipeline_mode = #tpu.pipeline_mode<synchronous>, transform_indices = @transform_8, window_bounds = array<i64: 1, 64>}, {transform_indices = @transform_9, window_bounds = array<i64: 1024, 64>}, {transform_indices = @transform_10, window_bounds = array<i64: 1024, 64>}]} {
    %get3A = arith.constant 0 : index
    %get3A_0 = arith.constant 0 : index
    %get3A_1 = vector.load %arg1[%get3A, %get3A_0] : memref<1024x128xf32, #tpu.memory_space<vmem>>, vector<1024x128xf32>
    %get3A_2 = arith.constant 0 : index
    %get3A_3 = arith.constant 0 : index
    %get3A_4 = vector.load %arg2[%get3A_2, %get3A_3] : memref<1024x128xf32, #tpu.memory_space<vmem>>, vector<1024x128xf32>
    %add3A = arith.addf %get3A_1, %get3A_4 : vector<1024x128xf32>
    %get3A_5 = arith.constant 0 : index
    %get3A_6 = arith.constant 0 : index
    %get3A_7 = vector.load %arg4[%get3A_5, %get3A_6] : memref<1024x1xf32, #tpu.memory_space<vmem>>, vector<1024x1xf32>
    %mul3A = vector.broadcast %get3A_7 : vector<1024x1xf32> to vector<1024x128xf32>
    %mul3A_8 = arith.mulf %add3A, %mul3A : vector<1024x128xf32>
    %get3A_9 = arith.constant 0 : index
    %get3A_10 = arith.constant 0 : index
    %get3A_11 = vector.load %arg3[%get3A_9, %get3A_10] : memref<1024x128xf32, #tpu.memory_space<vmem>>, vector<1024x128xf32>
    %get3A_12 = arith.constant 0 : index
    %get3A_13 = arith.constant 0 : index
    %get3A_14 = vector.load %arg5[%get3A_12, %get3A_13] : memref<1024x1xf32, #tpu.memory_space<vmem>>, vector<1024x1xf32>
    %mul3A_15 = vector.broadcast %get3A_14 : vector<1024x1xf32> to vector<1024x128xf32>
    %mul3A_16 = arith.mulf %get3A_11, %mul3A_15 : vector<1024x128xf32>
    %add3A_17 = arith.addf %mul3A_8, %mul3A_16 : vector<1024x128xf32>
    %get3A_18 = arith.constant 0 : index
    %get3A_19 = arith.constant 0 : index
    %get3A_20 = vector.load %arg6[%get3A_18, %get3A_19] : memref<128x64xf32, #tpu.memory_space<vmem>>, vector<128x64xf32>
    %dot_general3A = arith.constant dense<0.000000e+00> : vector<1024x64xf32>
    %dot_general3A_21 = tpu.matmul %add3A_17, %get3A_20, %dot_general3A {dimension_numbers = #tpu.dot_dimension_numbers<[1], [0], [0], [1], [0, 0, 1, 1], [], []>, transpose_lhs_hint = false} : vector<1024x128xf32>, vector<128x64xf32>, vector<1024x64xf32> -> vector<1024x64xf32>
    %get3A_22 = arith.constant 0 : index
    %get3A_23 = arith.constant 0 : index
    %get3A_24 = vector.load %arg7[%get3A_22, %get3A_23] : memref<1x64xf32, #tpu.memory_space<vmem>>, vector<1x64xf32>
    %add3A_25 = vector.broadcast %get3A_24 : vector<1x64xf32> to vector<1024x64xf32>
    %add3A_26 = arith.addf %dot_general3A_21, %add3A_25 : vector<1024x64xf32>
    %swap3A = arith.constant 0 : index
    %swap3A_27 = arith.constant 0 : index
    %swap3A_28 = vector.load %arg10[%swap3A, %swap3A_27] : memref<1024x64xf32, #tpu.memory_space<vmem>>, vector<1024x64xf32>
    tpu.vector_store %arg10[%swap3A, %swap3A_27], %add3A_26 {strides = array<i32>} : memref<1024x64xf32, #tpu.memory_space<vmem>>, vector<1024x64xf32>,
    %get3A_29 = arith.constant 0 : index
    %get3A_30 = arith.constant 0 : index
    %get3A_31 = vector.load %arg8[%get3A_29, %get3A_30] : memref<128x64xf32, #tpu.memory_space<vmem>>, vector<128x64xf32>
    %dot_general3A_32 = arith.constant dense<0.000000e+00> : vector<1024x64xf32>
    %dot_general3A_33 = tpu.matmul %add3A_17, %get3A_31, %dot_general3A_32 {dimension_numbers = #tpu.dot_dimension_numbers<[1], [0], [0], [1], [0, 0, 1, 1], [], []>, transpose_lhs_hint = false} : vector<1024x128xf32>, vector<128x64xf32>, vector<1024x64xf32> -> vector<1024x64xf32>
    %get3A_34 = arith.constant 0 : index
    %get3A_35 = arith.constant 0 : index
    %get3A_36 = vector.load %arg9[%get3A_34, %get3A_35] : memref<1x64xf32, #tpu.memory_space<vmem>>, vector<1x64xf32>
    %add3A_37 = vector.broadcast %get3A_36 : vector<1x64xf32> to vector<1024x64xf32>
    %add3A_38 = arith.addf %dot_general3A_33, %add3A_37 : vector<1024x64xf32>
    %swap3A_39 = arith.constant 0 : index
    %swap3A_40 = arith.constant 0 : index
    %swap3A_41 = vector.load %arg11[%swap3A_39, %swap3A_40] : memref<1024x64xf32, #tpu.memory_space<vmem>>, vector<1024x64xf32>
    tpu.vector_store %arg11[%swap3A_39, %swap3A_40], %add3A_38 {strides = array<i32>} : memref<1024x64xf32, #tpu.memory_space<vmem>>, vector<1024x64xf32>,
    return
  }
  func.func @transform_0(%arg0: i32) -> (i32, i32) {
    %c0_i32 = arith.constant 0 : i32
    %c0_i32_0 = arith.constant 0 : i32
    return %arg0, %c0_i32 : i32, i32
  }
  func.func @transform_1(%arg0: i32) -> (i32, i32) {
    %c0_i32 = arith.constant 0 : i32
    %c0_i32_0 = arith.constant 0 : i32
    return %arg0, %c0_i32 : i32, i32
  }
  func.func @transform_2(%arg0: i32) -> (i32, i32) {
    %c0_i32 = arith.constant 0 : i32
    %c0_i32_0 = arith.constant 0 : i32
    return %arg0, %c0_i32 : i32, i32
  }
  func.func @transform_3(%arg0: i32) -> (i32, i32) {
    %c0_i32 = arith.constant 0 : i32
    %c0_i32_0 = arith.constant 0 : i32
    return %arg0, %c0_i32 : i32, i32
  }
  func.func @transform_4(%arg0: i32) -> (i32, i32) {
    %c0_i32 = arith.constant 0 : i32
    %c0_i32_0 = arith.constant 0 : i32
    return %arg0, %c0_i32 : i32, i32
  }
  func.func @transform_5(%arg0: i32) -> (i32, i32) {
    %c0_i32 = arith.constant 0 : i32
    %c0_i32_0 = arith.constant 0 : i32
    %c0_i32_1 = arith.constant 0 : i32
    return %c0_i32, %c0_i32_0 : i32, i32
  }
  func.func @transform_6(%arg0: i32) -> (i32, i32) {
    %c0_i32 = arith.constant 0 : i32
    %c0_i32_0 = arith.constant 0 : i32
    %c0_i32_1 = arith.constant 0 : i32
    return %c0_i32, %c0_i32_0 : i32, i32
  }
  func.func @transform_7(%arg0: i32) -> (i32, i32) {
    %c0_i32 = arith.constant 0 : i32
    %c0_i32_0 = arith.constant 0 : i32
    %c0_i32_1 = arith.constant 0 : i32
    return %c0_i32, %c0_i32_0 : i32, i32
  }
  func.func @transform_8(%arg0: i32) -> (i32, i32) {
    %c0_i32 = arith.constant 0 : i32
    %c0_i32_0 = arith.constant 0 : i32
    %c0_i32_1 = arith.constant 0 : i32
    return %c0_i32, %c0_i32_0 : i32, i32
  }
  func.func @transform_9(%arg0: i32) -> (i32, i32) {
    %c0_i32 = arith.constant 0 : i32
    %c0_i32_0 = arith.constant 0 : i32
    return %arg0, %c0_i32 : i32, i32
  }
  func.func @transform_10(%arg0: i32) -> (i32, i32) {
    %c0_i32 = arith.constant 0 : i32
    %c0_i32_0 = arith.constant 0 : i32
    return %arg0, %c0_i32 : i32, i32
  }
}

</mosaic_0001>

<sc_bundles>
// kernel: kernel.12.cloned.1.call-start
scs
__scs_entry_jumppad:
0x0: {  	(pc) =	sbr.rel $0x88, $3  }
0x1: {  	(tag) =	ssettag $0x0;
	lr =	simm.s32 $0x1  }
0x2: {  	[smem:$0x3F94] =	sst lr;
	_ =	strace $0xD0000000  }
0x3: {  	_ = 	snop  }
0x4: {  	_ = 	snop  }
0x5: {  	_ = 	snop  }
0x6: {  	_ = 	snop  }
0x7: {  	_ = 	snop  }
__scs_overlays_trampoline_lowered:
0x8: {  	[smem:$0x3FA3] =	sst s0  }
0x9: {  	[smem:$0x3FA4] =	sst s1  }
0xa: {  	[smem:$0x3FA5] =	sst s2  }
0xb: {  	[smem:$0x3FA6] =	sst s3  }
0xc: {  	[smem:$0x3FA7] =	sst s4  }
0xd: {  	[smem:$0x3FA8] =	sst s5  }
0xe: {  	[smem:$0x3FA9] =	sst s6  }
0xf: {  	[smem:$0x3FAA] =	sst s7  }
0x10: {  	[smem:$0x3FAB] =	sst s8  }
0x11: {  	[smem:$0x3FAC] =	sst s9;
	s0 =	simm.s32 @!p0 $0x0  }
0x12: {  	s1 =	sld [smem:$0x3F92];
	s0 =	simm.s32 @p0 $0x1  }
0x13: {  	[smem:$0x3FAD] =	sst s0;
	s0 =	simm.s32 @!p1 $0x0  }
0x14: {  	s2 =	sld [smem:$0x3F91];
	s0 =	simm.s32 @p1 $0x1  }
0x15: {  	[smem:$0x3FAE] =	sst s0;
	s0 =	simm.s32 @!p2 $0x0  }
0x16: {  	s3 =	sld [smem:$0x3FDB];
	s0 =	simm.s32 @p2 $0x1  }
0x17: {  	s4 =	simm.s32 $0x1BF5;
	[smem:$0x3FB0] =	sst s0  }
0x18: {  	s0 =	sld [smem:$0x3F93];
	_ =	swait.ge [sflag:s4], $0x0  }
0x19: {  	s7 =	sld [smem:$0x3F94]  }
0x1a: {  	s8 =	sadd.s32 $0xFFFFE003, lr  }
0x1b: {  	s9 =	sadd.s32 $0xFFFFFEF7, lr;
	s5 =	simm.s32 $0xFFFFFFFF;
	p2 =	slt.u32 s8, $0xFFFFF086  }
0x1c: {  	p1 =	slt.u32 s9, $0xF7A;
	s5 =	simm.s32 @!p2 $0x0  }
0x1d: {  	s5 =	simm.s32 @p1 $0x1;
	p0 =	seq.s32 s7, s2  }
0x1e: {  	s7 =	smul.u32 @!p0 $0xF7A, s2;
	p2 =	seq.s32 @!p0 s5, $0x0  }
0x1f: {  	s9 =	smul.u32 $0xF7A, s1;
	s8 =	simm.s32 @!p0 $0x1BF5;
	p2 =	por !p2, p0  }
0x20: {  	[sflag:s8] =	ssyncset.s32 @!p0 $0xFFFFF086;
	s6 =	sadd.s32 @!p0 s3, s7;
	s7 =	simm.s32 @!p0 $0x108  }
0x21: {  	s3 =	sadd.s32 s3, s9;
	s6 =	sadd.s32 @!p0 $0x88, s6;
	s7 =	simm.s32 @p2 $0x1082  }
0x22: {  	[simem:s7], [sflag:s8] =	dma.local @!p0 [hbm:s6], $0xF7A  }
0x23: {  	s9 =	sor.u32 $0xD0000000, s2;
	s6 =	simm.s32 $0x108;
	_ =	swait.ge @!p0 [sflag:s8], $0x0  }
0x24: {  	s3 =	sadd.s32 $0x88, s3;
	s6 =	simm.s32 @!p1 $0x1082;
	[sflag:s4] =	ssyncset.s32 $0xFFFFF086  }
0x25: {  	[simem:s6], [sflag:s4] =	dma.local [hbm:s3], $0xF7A  }
0x26: {  	[smem:$0x3F94] =	sst s1;
	(tag) =	ssettag s2;
	_ =	strace s9  }
0x27: {  	s1 =	sld [smem:$0x3FA4]  }
0x28: {  	s2 =	sld [smem:$0x3FA5]  }
0x29: {  	s4 =	sld [smem:$0x3FA7]  }
0x2a: {  	p0 =	seq.s32 s5, $0x0;
	s5 =	sld [smem:$0x3FA8]  }
0x2b: {  	s6 =	sld [smem:$0x3FA9]  }
0x2c: {  	s7 =	sld [smem:$0x3FAA]  }
0x2d: {  	s3 =	simm.s32 $0x108;
	s8 =	sld [smem:$0x3FAB]  }
0x2e: {  	s3 =	simm.s32 @!p0 $0x1082;
	s9 =	sld [smem:$0x3FAC]  }
0x2f: {  	lr =	sadd.s32 s0, s3;
	s0 =	sld [smem:$0x3FA3]  }
0x30: {  	s3 =	sld [smem:$0x3FA6]  }
0x31: {  	[smem:$0x3FAF] =	sst s10  }
0x32: {  	s10 =	sld [smem:$0x3FAD];
	_ =	sdelay $0x3  }
0x33: {  	p0 =	seq.s32 s10, $0x1;
	s10 =	sld [smem:$0x3FAF];
	_ =	sdelay $0x3  }
0x34: {  	[smem:$0x3FAF] =	sst s10  }
0x35: {  	s10 =	sld [smem:$0x3FAE];
	_ =	sdelay $0x3  }
0x36: {  	p1 =	seq.s32 s10, $0x1;
	s10 =	sld [smem:$0x3FAF];
	_ =	sdelay $0x3  }
0x37: {  	[smem:$0x3FAF] =	sst s10  }
0x38: {  	s10 =	sld [smem:$0x3FB0]  }
0x39: {  	_ = 	snop;
	(pc) =	sbr.ind lr, $3  }
0x3a: {  	_ = 	snop  }
0x3b: {  	_ = 	snop  }
0x3c: {  	p2 =	seq.s32 s10, $0x1;
	s10 =	sld [smem:$0x3FAF]  }
0x3d: {  	_ =	shalt  }
0x3e: {  	_ =	shalt  }
0x3f: {  	_ =	shalt  }
0x40: {  	_ =	shalt  }
0x41: {  	_ =	shalt  }
0x42: {  	_ =	shalt  }
0x43: {  	_ =	shalt  }
0x44: {  	_ =	shalt  }
0x45: {  	_ =	shalt  }
0x46: {  	_ =	shalt  }
0x47: {  	_ =	shalt  }
0x48: {  	_ =	shalt  }
0x49: {  	_ =	shalt  }
0x4a: {  	_ =	shalt  }
0x4b: {  	_ =	shalt  }
0x4c: {  	_ =	shalt  }
0x4d: {  	_ =	shalt  }
0x4e: {  	_ =	shalt  }
0x4f: {  	_ =	shalt  }
0x50: {  	_ =	shalt  }
0x51: {  	_ =	shalt  }
0x52: {  	_ =	shalt  }
0x53: {  	_ =	shalt  }
0x54: {  	_ =	shalt  }
0x55: {  	_ =	shalt  }
0x56: {  	_ =	shalt  }
0x57: {  	_ =	shalt  }
0x58: {  	_ =	shalt  }
0x59: {  	_ =	shalt  }
0x5a: {  	_ =	shalt  }
0x5b: {  	_ =	shalt  }
0x5c: {  	_ =	shalt  }
0x5d: {  	_ =	shalt  }
0x5e: {  	_ =	shalt  }
0x5f: {  	_ =	shalt  }
0x60: {  	_ =	shalt  }
0x61: {  	_ =	shalt  }
0x62: {  	_ =	shalt  }
0x63: {  	_ =	shalt  }
0x64: {  	_ =	shalt  }
0x65: {  	_ =	shalt  }
0x66: {  	_ =	shalt  }
0x67: {  	_ =	shalt  }
0x68: {  	_ =	shalt  }
0x69: {  	_ =	shalt  }
0x6a: {  	_ =	shalt  }
0x6b: {  	_ =	shalt  }
0x6c: {  	_ =	shalt  }
0x6d: {  	_ =	shalt  }
0x6e: {  	_ =	shalt  }
0x6f: {  	_ =	shalt  }
0x70: {  	_ =	shalt  }
0x71: {  	_ =	shalt  }
0x72: {  	_ =	shalt  }
0x73: {  	_ =	shalt  }
0x74: {  	_ =	shalt  }
0x75: {  	_ =	shalt  }
0x76: {  	_ =	shalt  }
0x77: {  	_ =	shalt  }
0x78: {  	_ =	shalt  }
0x79: {  	_ =	shalt  }
0x7a: {  	_ =	shalt  }
0x7b: {  	_ =	shalt  }
0x7c: {  	_ =	shalt  }
0x7d: {  	_ =	shalt  }
0x7e: {  	_ =	shalt  }
0x7f: {  	_ =	shalt  }
0x80: {  	_ =	shalt  }
0x81: {  	_ =	shalt  }
0x82: {  	_ =	shalt  }
0x83: {  	_ =	shalt  }
0x84: {  	_ =	shalt  }
0x85: {  	_ =	shalt  }
0x86: {  	_ =	shalt  }
0x87: {  	_ =	shalt  }
.Lfunc_end0:
.L_simem_size_0:
called_computation.1_lowered:
.L_overlay_start_0:
0x88: {  	s2 =	sld [smem:$0x3FD9]  }
0x89: {  	s3 =	sld [smem:$0x3FFE];
	_ =	sdelay $0x1  }
0x8a: {  	s1 =	srdreg.scid  }
0x8b: {  	s0 =	sand.u32 $0x1, s1  }
0x8c: {  	s14 =	sshll.u32 s0, $0xA;
	s2 =	sadd.s32 s3, s2  }
0x8d: {  	s2 =	sadd.s32 s2, s14  }
0x8e: {  	[smem:$0x3FBB] =	sst s2  }
0x8f: {  	_ = 	snop  }
0x90: {  	s2 =	sld [smem:$0x3FD0];
	_ =	sdelay $0x2  }
0x91: {  	s15 =	simm.s32 $0xA;
	s4 =	simm.s32 $0x10  }
0x92: {  	[smem:s4], [sflag:s15] =	dma.local [hbm:s2], $0x1  }
0x93: {  	_ =	swait.eq [sflag:s15], $0x1  }
0x94: {  	[sflag:s15] =	ssyncset.done $0x0  }
0x95: {  	s16 =	sld [smem:$0x10];
	[sflag:s15] =	ssyncadd.s32 $0xFFFFFFFF  }
0x96: {  	s17 =	sld [smem:$0x11];
	(tm) =	ssettm $0x1  }
0x97: {  	s18 =	sld [smem:$0x3FFB];
	_ =	sdelay $0x3  }
0x98: {  	_ =	strace s18  }
0x99: {  	s4 =	sld [smem:$0x3FFC];
	_ =	sdelay $0x3  }
0x9a: {  	_ =	strace s4  }
0x9b: {  	s4 =	sld [smem:$0x3FFD];
	_ =	sdelay $0x3  }
0x9c: {  	_ =	strace s4  }
0x9d: {  	_ =	strace $0x8FFFFFFF  }
0x9e: {  	s19 =	sld [smem:$0x3FDB];
	_ =	sdelay $0x1  }
0x9f: {  	s5 =	simm.s32 $_scs_section_size  }
0xa0: {  	s6 =	simm.s32 $_size__tile_overlayer_lowered;
	s7 =	simm.s32 $_tile_overlayer_lowered  }
0xa1: {  	s22 =	simm.s32 $0x1BFF;
	s21 =	sshll.u32 s7, $0x1;
	s4 =	sadd.s32 s5, s19  }
0xa2: {  	s8 =	simm.s32 $0x0;
	s20 =	sshll.u32 s6, $0x1;
	s6 =	sadd.s32 s21, s4  }
0xa3: {  	[timem:s8], [sflag:s22] =	dma.local [hbm:s6], s20  }
0xa4: {  	_ =	swait.ge [sflag:s22], s20  }
0xa5: {  	s5 =	ssub.s32 $0x0, s20;
	[sflag:s22] =	ssyncset.done $0x0  }
0xa6: {  	[sflag:s22] =	ssyncadd.s32 s5;
	_ =	sdelay $0x1  }
0xa7: {  	s23 =	simm.s32 $0x1B8B  }
0xa8: {  	_ =	swait.ge [sflag:s23], $0x1  }
0xa9: {  	[sflag:s23] =	ssyncset.done $0x0  }
0xaa: {  	s25 =	simm.s32 $0x1B8E;
	s24 =	sld [smem:$0x3FFE];
	[sflag:s23] =	ssyncadd.s32 $0xFFFFFFFF  }
0xab: {  	s26 =	simm.s32 $execute0_lowered;
	[smem:$0x3FD2] =	sst s25  }
0xac: {  	s6 =	sshll.u32 s26, $0x1;
	_ =	strace $0x80000049;
	[dreg:$0x1] =	wrdreg $0xFFFFFFFF  }
0xad: {  	s28 =	simm.s32 $_size_execute0_lowered;
	s4 =	sadd.s32 s4, s6;
	[dreg:$0x0] =	wrdreg $0x0  }
0xae: {  	s6 =	sshll.u32 s28, $0x1;
	[dreg:$0x2] =	wrdreg s4  }
0xaf: {  	[dreg:$0x3] =	wrdreg s6  }
0xb0: {  	[dreg:$0x4] =	wrdreg $0xC0  }
0xb1: {  	_ =	task [dreg:s8], $0x5FFFF  }
0xb2: {  	[dreg:$0x1] =	wrdreg $0xFFFFFFFF  }
0xb3: {  	[dreg:$0x0] =	wrdreg $0x60  }
0xb4: {  	[dreg:$0x2] =	wrdreg s17  }
0xb5: {  	[dreg:$0x3] =	wrdreg s16  }
0xb6: {  	[dreg:$0x4] =	wrdreg s24  }
0xb7: {  	[dreg:$0x5] =	wrdreg $0x41000  }
0xb8: {  	[dreg:$0x6] =	wrdreg $0x9  }
0xb9: {  	_ =	task.clear_ibuf [dreg:s8], $0x7FFFF;
	_ =	strace $0x90000049  }
0xba: {  	s29 =	simm.s32 $0x9;
	_ =	strace $0x8000004B  }
0xbb: {  	_ =	swait.ge [sflag:s29], $0x1  }
0xbc: {  	[sflag:s29] =	ssyncadd.s32 $0xFFFFFFFF  }
0xbd: {  	_ =	strace $0x9000004B  }
0xbe: {  	_ =	sfence  }
0xbf: {  	s30 =	sld [smem:$0x0];
	_ =	sdelay $0x2  }
0xc0: {  	s31 =	sshll.u32 s1, $0xD;
	s1 =	sshrl.u32 s1, $0x2  }
0xc1: {  	s3 =	sand.u32 $0x4000, s31;
	s1 =	sadd.s32 s1, s30  }
0xc2: {  	s0 =	sor.u32 s3, s0;
	s1 =	sshll.u32 s1, $0x11  }
0xc3: {  	s0 =	sor.u32 s1, s0  }
0xc4: {  	s0 =	sadd.s32 $0x8F2B, s0  }
0xc5: {  	[sflag:s0] =	ssyncadd.remote.s32 $0x1  }
0xc6: {  	_ =	sfence.sel $0xFFFF  }
0xc7: {  	[dreg:$0x0] =	wrdreg $0xFFFFFFFF;
	(pc) =	sbr.abs _section_cstart, $3  }
0xc8: {  	[dreg:$0x1] =	wrdreg $0xFFFFFFFF  }
0xc9: {  	_ =	task.clear_ibuf [dreg:s8], $0x2FFFF;
	_ =	strace $0x9FFFFFFF  }
0xca: {  	(tm) =	ssettm $0x7FFFFFFF  }
0xcb: {  	_ =	shalt  }
tec
execute0_lowered:
.L_overlay_start_1:
0x0: {  	(tag) =	ssettag $0x1  }
0x1: {  	s8 =	rddreg [dreg:$0x0]  }
0x2: {  	s9 =	rddreg [dreg:$0x1]  }
0x3: {  	s5 =	rddreg [dreg:$0x2]  }
0x4: {  	s2 =	rddreg [dreg:$0x3]  }
0x5: {  	s0 =	rddreg [dreg:$0x4];
	s3 =	simm.s32 $0x0;
	s1 =	stileid.u32  }
0x6: {  	s4 =	srdreg.scid;
	s15 =	simm.s32 $0x1;
	s6 =	smul.u32 $0x2800, s1  }
0x7: {  	s16 =	simm.s32 $0x0;
	[smem:$0x7FF] =	sst s3;
	s12 =	smul.u32 $0x50000, s1  }
0x8: {  	s7 =	sand.u32 $0x1, s4;
	s4 =	sadd.s32 $0x2CC00, s5;
	s30 =	smul.u32 $0xA00, s1  }
0x9: {  	s29 =	sshll.u32 s1, $0x6;
	_ =	strace $0x8000004A;
	s10 =	smul.u32 $0x28000, s7  }
0xa: {  	s11 =	ssub.s32 $0x2, s7;
	s31 =	smul.u32 $0x500, s7;
	s13 =	sadd.s32 s6, s5  }
0xb: {  	s25 =	sshrl.u32 s11, $0x1;
	s26 =	sshrl.u32 s12, $0x2;
	s9 =	sadd.s32 s30, s9  }
0xc: {  	s12 =	sadd.s32 s30, s8;
	s6 =	sadd.s32 s6, s10;
	s10 =	ssub.s32 s11, s25  }
0xd: {  	s28 =	sadd.s32 s26, s2;
	s9 =	sadd.s32 s31, s9;
	s14 =	sadd.s32 s6, s5  }
0xe: {  	s5 =	sadd.s32 $0xA4C00, s13;
	s6 =	sor.u32 $0x1C02, s29;
	s8 =	smax.u32 s10, $0x1  }
0xf: {  	s10 =	sadd.s32 s31, s12;
	s11 =	sshrl.u32 s28, $0x3;
	s12 =	simm.s32 $0x2  }
0x10: {  	s13 =	simm.s32 $0x80;
	s7 =	sadd.s32 $0xCCC00, s14;
	s14 =	simm.s32 $0x100  }
.LBB2_1:
0x11: {  	[spmem:s11], [sflag:s6] =	dma.local [hbm:s5], $0x2800  }
0x12: {  	_ =	swait.ge [sflag:s12], $0x2800  }
0x13: {  	[sflag:s12] =	ssyncset.done $0x0  }
0x14: {  	[sflag:s12] =	ssyncadd.s32 $0xFFFFD800  }
0x15: {  	s17 =	sadd.s32 $0x0, s10;
	[bflag:$0x0] =	sbarrier.arrive $0xFFFF  }
0x16: {  	[tilespmem:s3], [sflag:$0x2] =	stream.linear.gather [hbm4b:s17+s3], $0x80, $0x38;
	[tilespmem:$0x18100] =	vst v63  }
0x17: {  	_ =	swait.ge [sflag:s12], $0x80  }
0x18: {  	[sflag:s12] =	ssyncset.done $0x0  }
0x19: {  	s31 =	sadd.s32 $0x0, s9;
	[sflag:s12] =	ssyncadd.s32 $0xFFFFFF80  }
0x1a: {  	[tilespmem:s13], [sflag:$0x2] =	stream.linear.gather [hbm4b:s31+s3], $0x80, $0x38;
	[tilespmem:$0x18100] =	vst v63  }
0x1b: {  	_ =	swait.ge [sflag:s12], $0x80  }
0x1c: {  	[sflag:s12] =	ssyncset.done $0x0  }
0x1d: {  	[sflag:s12] =	ssyncadd.s32 $0xFFFFFF80  }
0x1e: {  	[tilespmem:s14], [sflag:$0x1] =	stream.indirect.gather [hbm4b:s4+s13], $0x80, s3, s13, $0xb8;
	[tilespmem:$0x18100] =	vst v63  }
0x1f: {  	_ =	swait.ge [sflag:s15], $0x4000  }
0x20: {  	[sflag:s15] =	ssyncset.done $0x0  }
0x21: {  	[sflag:s15] =	ssyncadd.s32 $0xFFFFC000  }
0x22: {  	[spmem:s2] =	stream.indirect.scatter.add.f32 [tilespmem:s14], [sflag:$0x2], $0x80, s13, s13, $0xb8;
	[tilespmem:$0x18100] =	vst v63  }
0x23: {  	_ =	swait.ge [sflag:s12], $0x4000  }
0x24: {  	s18 =	simm.s32 $0x20;
	s17 =	simm.s32 $0x10;
	[sflag:s12] =	ssyncset.done $0x0  }
.LBB2_2:
0x25: {  	s19 =	sadd.s32 s17, s10  }
0x26: {  	[sflag:s12] =	ssyncadd.s32 $0xFFFFC000;
	s20 =	smov.u32 s18;
	s21 =	sadd.s32 $0x10, s18  }
0x27: {  	[tilespmem:s3], [sflag:$0x2] =	stream.linear.gather [hbm4b:s19+s3], $0x80, $0x38;
	[tilespmem:$0x18100] =	vst v63  }
0x28: {  	p0 =	sne.s32 s18, $0x4F0;
	_ =	swait.ge [sflag:s12], $0x80  }
0x29: {  	[sflag:s12] =	ssyncset.done $0x0  }
0x2a: {  	s18 =	sadd.s32 s17, s9;
	s17 =	smov.u32 s20;
	[sflag:s12] =	ssyncadd.s32 $0xFFFFFF80  }
0x2b: {  	[tilespmem:s13], [sflag:$0x2] =	stream.linear.gather [hbm4b:s18+s3], $0x80, $0x38;
	[tilespmem:$0x18100] =	vst v63  }
0x2c: {  	_ =	swait.ge [sflag:s12], $0x80  }
0x2d: {  	[sflag:s12] =	ssyncset.done $0x0  }
0x2e: {  	[sflag:s12] =	ssyncadd.s32 $0xFFFFFF80  }
0x2f: {  	[tilespmem:s14], [sflag:$0x1] =	stream.indirect.gather [hbm4b:s4+s13], $0x80, s3, s13, $0xb8;
	[tilespmem:$0x18100] =	vst v63  }
0x30: {  	_ =	swait.ge [sflag:s15], $0x4000  }
.Ltmp0:
0x31: {  	[sflag:s15] =	ssyncset.done $0x0;
	(pc) =	sbr.rel @p0 .LBB2_2-.Ltmp0, $4  }
0x32: {  	[sflag:s15] =	ssyncadd.s32 $0xFFFFC000  }
0x33: {  	[spmem:s2] =	stream.indirect.scatter.add.f32 [tilespmem:s14], [sflag:$0x2], $0x80, s13, s13, $0xb8;
	[tilespmem:$0x18100] =	vst v63  }
0x34: {  	_ =	swait.ge [sflag:s12], $0x4000  }
0x35: {  	s18 =	smov.u32 s21;
	[sflag:s12] =	ssyncset.done $0x0  }
0x36: {  	s18 =	sadd.s32 s17, s10;
	[sflag:s12] =	ssyncadd.s32 $0xFFFFC000  }
0x37: {  	[tilespmem:s3], [sflag:$0x2] =	stream.linear.gather [hbm4b:s18+s3], $0x80, $0x38;
	[tilespmem:$0x18100] =	vst v63  }
0x38: {  	_ =	swait.ge [sflag:s12], $0x80  }
0x39: {  	[sflag:s12] =	ssyncset.done $0x0  }
0x3a: {  	s31 =	sadd.s32 s17, s9;
	[sflag:s12] =	ssyncadd.s32 $0xFFFFFF80  }
0x3b: {  	[tilespmem:s13], [sflag:$0x2] =	stream.linear.gather [hbm4b:s31+s3], $0x80, $0x38;
	[tilespmem:$0x18100] =	vst v63  }
0x3c: {  	_ =	swait.ge [sflag:s12], $0x80  }
0x3d: {  	[sflag:s12] =	ssyncset.done $0x0  }
0x3e: {  	[sflag:s12] =	ssyncadd.s32 $0xFFFFFF80  }
0x3f: {  	[tilespmem:s14], [sflag:$0x1] =	stream.indirect.gather [hbm4b:s4+s13], $0x80, s3, s13, $0xb8;
	[tilespmem:$0x18100] =	vst v63  }
0x40: {  	_ =	swait.ge [sflag:s15], $0x4000  }
0x41: {  	[sflag:s15] =	ssyncset.done $0x0  }
0x42: {  	[sflag:s15] =	ssyncadd.s32 $0xFFFFC000  }
0x43: {  	[spmem:s2] =	stream.indirect.scatter.add.f32 [tilespmem:s14], [sflag:$0x2], $0x80, s13, s13, $0xb8;
	[tilespmem:$0x18100] =	vst v63  }
0x44: {  	_ =	swait.ge [sflag:s12], $0x4000  }
0x45: {  	s16 =	sadd.s32 $0x1, s16;
	[sflag:s12] =	ssyncset.done $0x0  }
0x46: {  	p0 =	sne.s32 s16, s8;
	[sflag:s12] =	ssyncadd.s32 $0xFFFFC000  }
.Ltmp1:
0x47: {  	[bflag:$0x0] =	sbarrier.arrive $0xFFFF;
	(pc) =	sbr.rel @p0 .LBB2_1-.Ltmp1, $4  }
0x48: {  	[hbm:s7], [sflag:s6] =	dma.local [spmem:s11], $0x2800  }
0x49: {  	_ =	swait.ge [sflag:s12], $0x2800  }
0x4a: {  	[sflag:s12] =	ssyncset.done $0x0  }
0x4b: {  	[sflag:s12] =	ssyncadd.s32 $0xFFFFD800  }
0x4c: {  	_ =	sfence.sel $0x180000  }
0x4d: {  	[bflag:$0x0] =	sbarrier.arrive $0xFFFF  }
0x4e: {  	p0 =	sne.s32 s1, $0x0;
	_ =	strace $0x9000004A  }
0x4f: {  	s0 =	sadd.s32 @!p0 $0x100000, s0;
	[bflag:$0x2] =	sbarrier.arrive $0xFFFF  }
0x50: {  	[sflag:s0] =	ssyncadd.tile.s32 @!p0 $0x1;
	_ =	shalt  }
.Lfunc_end2:
_tile_overlayer_lowered:
.L_overlay_start_2:
0x51: {  	(tag) =	ssettag $0x2  }
0x52: {  	s0 =	rddreg [dreg:$0x0];
	s2 =	stileid.u32  }
0x53: {  	s1 =	rddreg [dreg:$0x1];
	p0 =	sne.s32 s2, $0x0  }
0x54: {  	s3 =	rddreg [dreg:$0x2];
	[bflag:$0x3] =	sbarrier.arrive $0xFFFF;
	s2 =	simm.s32 @!p0 $0x1C02  }
0x55: {  	[timem:s3], [sflag:s2] =	dma.local @!p0 [hbm:s0], s1  }
0x56: {  	s0 =	simm.s32 @!p0 $0x2  }
0x57: {  	_ =	swait.ge @!p0 [sflag:s0], s1  }
0x58: {  	s1 =	ssub.s32 @!p0 $0x0, s1;
	[sflag:s0] =	ssyncset.done @!p0 $0x0  }
0x59: {  	[sflag:s0] =	ssyncadd.s32 @!p0 s1  }
0x5a: {  	[bflag:$0x3] =	sbarrier.arrive $0xFFFF  }
0x5b: {  	_ =	shalt  }

// kernel: kernel.15.cloned.1.call-start
scs
__scs_entry_jumppad:
0x0: {  	(pc) =	sbr.rel $0x88, $3  }
0x1: {  	(tag) =	ssettag $0x0;
	lr =	simm.s32 $0x1  }
0x2: {  	[smem:$0x3F94] =	sst lr;
	_ =	strace $0xD0000000  }
0x3: {  	_ = 	snop  }
0x4: {  	_ = 	snop  }
0x5: {  	_ = 	snop  }
0x6: {  	_ = 	snop  }
0x7: {  	_ = 	snop  }
__scs_overlays_trampoline_lowered:
0x8: {  	[smem:$0x3FA3] =	sst s0  }
0x9: {  	[smem:$0x3FA4] =	sst s1  }
0xa: {  	[smem:$0x3FA5] =	sst s2  }
0xb: {  	[smem:$0x3FA6] =	sst s3  }
0xc: {  	[smem:$0x3FA7] =	sst s4  }
0xd: {  	[smem:$0x3FA8] =	sst s5  }
0xe: {  	[smem:$0x3FA9] =	sst s6  }
0xf: {  	[smem:$0x3FAA] =	sst s7  }
0x10: {  	[smem:$0x3FAB] =	sst s8  }
0x11: {  	[smem:$0x3FAC] =	sst s9;
	s0 =	simm.s32 @!p0 $0x0  }
0x12: {  	s1 =	sld [smem:$0x3F92];
	s0 =	simm.s32 @p0 $0x1  }
0x13: {  	[smem:$0x3FAD] =	sst s0;
	s0 =	simm.s32 @!p1 $0x0  }
0x14: {  	s2 =	sld [smem:$0x3F91];
	s0 =	simm.s32 @p1 $0x1  }
0x15: {  	[smem:$0x3FAE] =	sst s0;
	s0 =	simm.s32 @!p2 $0x0  }
0x16: {  	s3 =	sld [smem:$0x3FDB];
	s0 =	simm.s32 @p2 $0x1  }
0x17: {  	s4 =	simm.s32 $0x1BF5;
	[smem:$0x3FB0] =	sst s0  }
0x18: {  	s0 =	sld [smem:$0x3F93];
	_ =	swait.ge [sflag:s4], $0x0  }
0x19: {  	s7 =	sld [smem:$0x3F94]  }
0x1a: {  	s8 =	sadd.s32 $0xFFFFE003, lr  }
0x1b: {  	s9 =	sadd.s32 $0xFFFFFEF7, lr;
	s5 =	simm.s32 $0xFFFFFFFF;
	p2 =	slt.u32 s8, $0xFFFFF086  }
0x1c: {  	p1 =	slt.u32 s9, $0xF7A;
	s5 =	simm.s32 @!p2 $0x0  }
0x1d: {  	s5 =	simm.s32 @p1 $0x1;
	p0 =	seq.s32 s7, s2  }
0x1e: {  	s7 =	smul.u32 @!p0 $0xF7A, s2;
	p2 =	seq.s32 @!p0 s5, $0x0  }
0x1f: {  	s9 =	smul.u32 $0xF7A, s1;
	s8 =	simm.s32 @!p0 $0x1BF5;
	p2 =	por !p2, p0  }
0x20: {  	[sflag:s8] =	ssyncset.s32 @!p0 $0xFFFFF086;
	s6 =	sadd.s32 @!p0 s3, s7;
	s7 =	simm.s32 @!p0 $0x108  }
0x21: {  	s3 =	sadd.s32 s3, s9;
	s6 =	sadd.s32 @!p0 $0x88, s6;
	s7 =	simm.s32 @p2 $0x1082  }
0x22: {  	[simem:s7], [sflag:s8] =	dma.local @!p0 [hbm:s6], $0xF7A  }
0x23: {  	s9 =	sor.u32 $0xD0000000, s2;
	s6 =	simm.s32 $0x108;
	_ =	swait.ge @!p0 [sflag:s8], $0x0  }
0x24: {  	s3 =	sadd.s32 $0x88, s3;
	s6 =	simm.s32 @!p1 $0x1082;
	[sflag:s4] =	ssyncset.s32 $0xFFFFF086  }
0x25: {  	[simem:s6], [sflag:s4] =	dma.local [hbm:s3], $0xF7A  }
0x26: {  	[smem:$0x3F94] =	sst s1;
	(tag) =	ssettag s2;
	_ =	strace s9  }
0x27: {  	s1 =	sld [smem:$0x3FA4]  }
0x28: {  	s2 =	sld [smem:$0x3FA5]  }
0x29: {  	s4 =	sld [smem:$0x3FA7]  }
0x2a: {  	p0 =	seq.s32 s5, $0x0;
	s5 =	sld [smem:$0x3FA8]  }
0x2b: {  	s6 =	sld [smem:$0x3FA9]  }
0x2c: {  	s7 =	sld [smem:$0x3FAA]  }
0x2d: {  	s3 =	simm.s32 $0x108;
	s8 =	sld [smem:$0x3FAB]  }
0x2e: {  	s3 =	simm.s32 @!p0 $0x1082;
	s9 =	sld [smem:$0x3FAC]  }
0x2f: {  	lr =	sadd.s32 s0, s3;
	s0 =	sld [smem:$0x3FA3]  }
0x30: {  	s3 =	sld [smem:$0x3FA6]  }
0x31: {  	[smem:$0x3FAF] =	sst s10  }
0x32: {  	s10 =	sld [smem:$0x3FAD];
	_ =	sdelay $0x3  }
0x33: {  	p0 =	seq.s32 s10, $0x1;
	s10 =	sld [smem:$0x3FAF];
	_ =	sdelay $0x3  }
0x34: {  	[smem:$0x3FAF] =	sst s10  }
0x35: {  	s10 =	sld [smem:$0x3FAE];
	_ =	sdelay $0x3  }
0x36: {  	p1 =	seq.s32 s10, $0x1;
	s10 =	sld [smem:$0x3FAF];
	_ =	sdelay $0x3  }
0x37: {  	[smem:$0x3FAF] =	sst s10  }
0x38: {  	s10 =	sld [smem:$0x3FB0]  }
0x39: {  	_ = 	snop;
	(pc) =	sbr.ind lr, $3  }
0x3a: {  	_ = 	snop  }
0x3b: {  	_ = 	snop  }
0x3c: {  	p2 =	seq.s32 s10, $0x1;
	s10 =	sld [smem:$0x3FAF]  }
0x3d: {  	_ =	shalt  }
0x3e: {  	_ =	shalt  }
0x3f: {  	_ =	shalt  }
0x40: {  	_ =	shalt  }
0x41: {  	_ =	shalt  }
0x42: {  	_ =	shalt  }
0x43: {  	_ =	shalt  }
0x44: {  	_ =	shalt  }
0x45: {  	_ =	shalt  }
0x46: {  	_ =	shalt  }
0x47: {  	_ =	shalt  }
0x48: {  	_ =	shalt  }
0x49: {  	_ =	shalt  }
0x4a: {  	_ =	shalt  }
0x4b: {  	_ =	shalt  }
0x4c: {  	_ =	shalt  }
0x4d: {  	_ =	shalt  }
0x4e: {  	_ =	shalt  }
0x4f: {  	_ =	shalt  }
0x50: {  	_ =	shalt  }
0x51: {  	_ =	shalt  }
0x52: {  	_ =	shalt  }
0x53: {  	_ =	shalt  }
0x54: {  	_ =	shalt  }
0x55: {  	_ =	shalt  }
0x56: {  	_ =	shalt  }
0x57: {  	_ =	shalt  }
0x58: {  	_ =	shalt  }
0x59: {  	_ =	shalt  }
0x5a: {  	_ =	shalt  }
0x5b: {  	_ =	shalt  }
0x5c: {  	_ =	shalt  }
0x5d: {  	_ =	shalt  }
0x5e: {  	_ =	shalt  }
0x5f: {  	_ =	shalt  }
0x60: {  	_ =	shalt  }
0x61: {  	_ =	shalt  }
0x62: {  	_ =	shalt  }
0x63: {  	_ =	shalt  }
0x64: {  	_ =	shalt  }
0x65: {  	_ =	shalt  }
0x66: {  	_ =	shalt  }
0x67: {  	_ =	shalt  }
0x68: {  	_ =	shalt  }
0x69: {  	_ =	shalt  }
0x6a: {  	_ =	shalt  }
0x6b: {  	_ =	shalt  }
0x6c: {  	_ =	shalt  }
0x6d: {  	_ =	shalt  }
0x6e: {  	_ =	shalt  }
0x6f: {  	_ =	shalt  }
0x70: {  	_ =	shalt  }
0x71: {  	_ =	shalt  }
0x72: {  	_ =	shalt  }
0x73: {  	_ =	shalt  }
0x74: {  	_ =	shalt  }
0x75: {  	_ =	shalt  }
0x76: {  	_ =	shalt  }
0x77: {  	_ =	shalt  }
0x78: {  	_ =	shalt  }
0x79: {  	_ =	shalt  }
0x7a: {  	_ =	shalt  }
0x7b: {  	_ =	shalt  }
0x7c: {  	_ =	shalt  }
0x7d: {  	_ =	shalt  }
0x7e: {  	_ =	shalt  }
0x7f: {  	_ =	shalt  }
0x80: {  	_ =	shalt  }
0x81: {  	_ =	shalt  }
0x82: {  	_ =	shalt  }
0x83: {  	_ =	shalt  }
0x84: {  	_ =	shalt  }
0x85: {  	_ =	shalt  }
0x86: {  	_ =	shalt  }
0x87: {  	_ =	shalt  }
.Lfunc_end0:
.L_simem_size_0:
called_computation.2_lowered:
.L_overlay_start_0:
0x88: {  	s2 =	sld [smem:$0x3FD9]  }
0x89: {  	s3 =	sld [smem:$0x3FFE];
	_ =	sdelay $0x1  }
0x8a: {  	s1 =	srdreg.scid  }
0x8b: {  	s0 =	sand.u32 $0x1, s1  }
0x8c: {  	s14 =	sshll.u32 s0, $0xA;
	s2 =	sadd.s32 s3, s2  }
0x8d: {  	s2 =	sadd.s32 s2, s14  }
0x8e: {  	[smem:$0x3FBB] =	sst s2  }
0x8f: {  	_ = 	snop  }
0x90: {  	s2 =	sld [smem:$0x3FD0];
	_ =	sdelay $0x2  }
0x91: {  	s15 =	simm.s32 $0xA;
	s4 =	simm.s32 $0x10  }
0x92: {  	[smem:s4], [sflag:s15] =	dma.local [hbm:s2], $0x1  }
0x93: {  	_ =	swait.eq [sflag:s15], $0x1  }
0x94: {  	[sflag:s15] =	ssyncset.done $0x0  }
0x95: {  	s16 =	sld [smem:$0x10];
	[sflag:s15] =	ssyncadd.s32 $0xFFFFFFFF  }
0x96: {  	s17 =	sld [smem:$0x11];
	(tm) =	ssettm $0x1  }
0x97: {  	s18 =	sld [smem:$0x3FFB];
	_ =	sdelay $0x3  }
0x98: {  	_ =	strace s18  }
0x99: {  	s4 =	sld [smem:$0x3FFC];
	_ =	sdelay $0x3  }
0x9a: {  	_ =	strace s4  }
0x9b: {  	s4 =	sld [smem:$0x3FFD];
	_ =	sdelay $0x3  }
0x9c: {  	_ =	strace s4  }
0x9d: {  	_ =	strace $0x8FFFFFFF  }
0x9e: {  	s19 =	sld [smem:$0x3FDB];
	_ =	sdelay $0x1  }
0x9f: {  	s5 =	simm.s32 $_scs_section_size  }
0xa0: {  	s6 =	simm.s32 $_size__tile_overlayer_lowered;
	s7 =	simm.s32 $_tile_overlayer_lowered  }
0xa1: {  	s22 =	simm.s32 $0x1BFF;
	s21 =	sshll.u32 s7, $0x1;
	s4 =	sadd.s32 s5, s19  }
0xa2: {  	s8 =	simm.s32 $0x0;
	s20 =	sshll.u32 s6, $0x1;
	s6 =	sadd.s32 s21, s4  }
0xa3: {  	[timem:s8], [sflag:s22] =	dma.local [hbm:s6], s20  }
0xa4: {  	_ =	swait.ge [sflag:s22], s20  }
0xa5: {  	s5 =	ssub.s32 $0x0, s20;
	[sflag:s22] =	ssyncset.done $0x0  }
0xa6: {  	[sflag:s22] =	ssyncadd.s32 s5;
	_ =	sdelay $0x1  }
0xa7: {  	s23 =	simm.s32 $0x1B8B  }
0xa8: {  	_ =	swait.ge [sflag:s23], $0x1  }
0xa9: {  	[sflag:s23] =	ssyncset.done $0x0  }
0xaa: {  	s25 =	simm.s32 $0x1B8E;
	s24 =	sld [smem:$0x3FFE];
	[sflag:s23] =	ssyncadd.s32 $0xFFFFFFFF  }
0xab: {  	s26 =	simm.s32 $execute0_lowered;
	[smem:$0x3FD2] =	sst s25  }
0xac: {  	s6 =	sshll.u32 s26, $0x1;
	_ =	strace $0x8000004C;
	[dreg:$0x1] =	wrdreg $0xFFFFFFFF  }
0xad: {  	s28 =	simm.s32 $_size_execute0_lowered;
	s4 =	sadd.s32 s4, s6;
	[dreg:$0x0] =	wrdreg $0x0  }
0xae: {  	s6 =	sshll.u32 s28, $0x1;
	[dreg:$0x2] =	wrdreg s4  }
0xaf: {  	[dreg:$0x3] =	wrdreg s6  }
0xb0: {  	[dreg:$0x4] =	wrdreg $0xC0  }
0xb1: {  	_ =	task [dreg:s8], $0x5FFFF  }
0xb2: {  	[dreg:$0x1] =	wrdreg $0xFFFFFFFF  }
0xb3: {  	[dreg:$0x0] =	wrdreg $0x60  }
0xb4: {  	[dreg:$0x2] =	wrdreg s17  }
0xb5: {  	[dreg:$0x3] =	wrdreg s16  }
0xb6: {  	[dreg:$0x4] =	wrdreg s24  }
0xb7: {  	[dreg:$0x5] =	wrdreg $0x41000  }
0xb8: {  	[dreg:$0x6] =	wrdreg $0x9  }
0xb9: {  	_ =	task.clear_ibuf [dreg:s8], $0x7FFFF;
	_ =	strace $0x9000004C  }
0xba: {  	s29 =	simm.s32 $0x9;
	_ =	strace $0x8000004E  }
0xbb: {  	_ =	swait.ge [sflag:s29], $0x1  }
0xbc: {  	[sflag:s29] =	ssyncadd.s32 $0xFFFFFFFF  }
0xbd: {  	_ =	strace $0x9000004E  }
0xbe: {  	_ =	sfence  }
0xbf: {  	s30 =	sld [smem:$0x0];
	_ =	sdelay $0x2  }
0xc0: {  	s31 =	sshll.u32 s1, $0xD;
	s1 =	sshrl.u32 s1, $0x2  }
0xc1: {  	s3 =	sand.u32 $0x4000, s31;
	s1 =	sadd.s32 s1, s30  }
0xc2: {  	s0 =	sor.u32 s3, s0;
	s1 =	sshll.u32 s1, $0x11  }
0xc3: {  	s0 =	sor.u32 s1, s0  }
0xc4: {  	s0 =	sadd.s32 $0x8F2B, s0  }
0xc5: {  	[sflag:s0] =	ssyncadd.remote.s32 $0x1  }
0xc6: {  	_ =	sfence.sel $0xFFFF  }
0xc7: {  	[dreg:$0x0] =	wrdreg $0xFFFFFFFF;
	(pc) =	sbr.abs _section_cstart, $3  }
0xc8: {  	[dreg:$0x1] =	wrdreg $0xFFFFFFFF  }
0xc9: {  	_ =	task.clear_ibuf [dreg:s8], $0x2FFFF;
	_ =	strace $0x9FFFFFFF  }
0xca: {  	(tm) =	ssettm $0x7FFFFFFF  }
0xcb: {  	_ =	shalt  }
tec
execute0_lowered:
.L_overlay_start_1:
0x0: {  	(tag) =	ssettag $0x1  }
0x1: {  	s8 =	rddreg [dreg:$0x0]  }
0x2: {  	s9 =	rddreg [dreg:$0x1]  }
0x3: {  	s5 =	rddreg [dreg:$0x2]  }
0x4: {  	s2 =	rddreg [dreg:$0x3]  }
0x5: {  	s0 =	rddreg [dreg:$0x4];
	s3 =	simm.s32 $0x0;
	s1 =	stileid.u32  }
0x6: {  	s4 =	srdreg.scid;
	s15 =	simm.s32 $0x1;
	s6 =	smul.u32 $0x2800, s1  }
0x7: {  	s16 =	simm.s32 $0x0;
	[smem:$0x7FF] =	sst s3;
	s12 =	smul.u32 $0x50000, s1  }
0x8: {  	s7 =	sand.u32 $0x1, s4;
	s4 =	sadd.s32 $0x3C00, s5;
	s30 =	smul.u32 $0xA00, s1  }
0x9: {  	s29 =	sshll.u32 s1, $0x6;
	_ =	strace $0x8000004D;
	s10 =	smul.u32 $0x28000, s7  }
0xa: {  	s11 =	ssub.s32 $0x2, s7;
	s31 =	smul.u32 $0x500, s7;
	s13 =	sadd.s32 s6, s5  }
0xb: {  	s25 =	sshrl.u32 s11, $0x1;
	s26 =	sshrl.u32 s12, $0x2;
	s9 =	sadd.s32 s30, s9  }
0xc: {  	s12 =	sadd.s32 s30, s8;
	s6 =	sadd.s32 s6, s10;
	s10 =	ssub.s32 s11, s25  }
0xd: {  	s28 =	sadd.s32 s26, s2;
	s9 =	sadd.s32 s31, s9;
	s14 =	sadd.s32 s6, s5  }
0xe: {  	s5 =	sadd.s32 $0xA4C00, s13;
	s6 =	sor.u32 $0x1C02, s29;
	s8 =	smax.u32 s10, $0x1  }
0xf: {  	s10 =	sadd.s32 s31, s12;
	s11 =	sshrl.u32 s28, $0x3;
	s12 =	simm.s32 $0x2  }
0x10: {  	s13 =	simm.s32 $0x80;
	s7 =	sadd.s32 $0xCCC00, s14;
	s14 =	simm.s32 $0x100  }
.LBB2_1:
0x11: {  	[spmem:s11], [sflag:s6] =	dma.local [hbm:s5], $0x2800  }
0x12: {  	_ =	swait.ge [sflag:s12], $0x2800  }
0x13: {  	[sflag:s12] =	ssyncset.done $0x0  }
0x14: {  	[sflag:s12] =	ssyncadd.s32 $0xFFFFD800  }
0x15: {  	s17 =	sadd.s32 $0x0, s10;
	[bflag:$0x0] =	sbarrier.arrive $0xFFFF  }
0x16: {  	[tilespmem:s3], [sflag:$0x2] =	stream.linear.gather [hbm4b:s17+s3], $0x80, $0x38;
	[tilespmem:$0x18100] =	vst v63  }
0x17: {  	_ =	swait.ge [sflag:s12], $0x80  }
0x18: {  	[sflag:s12] =	ssyncset.done $0x0  }
0x19: {  	s31 =	sadd.s32 $0x0, s9;
	[sflag:s12] =	ssyncadd.s32 $0xFFFFFF80  }
0x1a: {  	[tilespmem:s13], [sflag:$0x2] =	stream.linear.gather [hbm4b:s31+s3], $0x80, $0x38;
	[tilespmem:$0x18100] =	vst v63  }
0x1b: {  	_ =	swait.ge [sflag:s12], $0x80  }
0x1c: {  	[sflag:s12] =	ssyncset.done $0x0  }
0x1d: {  	[sflag:s12] =	ssyncadd.s32 $0xFFFFFF80  }
0x1e: {  	[tilespmem:s14], [sflag:$0x1] =	stream.indirect.gather [hbm4b:s4+s13], $0x80, s3, s13, $0xb8;
	[tilespmem:$0x18100] =	vst v63  }
0x1f: {  	_ =	swait.ge [sflag:s15], $0x4000  }
0x20: {  	[sflag:s15] =	ssyncset.done $0x0  }
0x21: {  	[sflag:s15] =	ssyncadd.s32 $0xFFFFC000  }
0x22: {  	[spmem:s2] =	stream.indirect.scatter.add.f32 [tilespmem:s14], [sflag:$0x2], $0x80, s13, s13, $0xb8;
	[tilespmem:$0x18100] =	vst v63  }
0x23: {  	_ =	swait.ge [sflag:s12], $0x4000  }
0x24: {  	s18 =	simm.s32 $0x20;
	s17 =	simm.s32 $0x10;
	[sflag:s12] =	ssyncset.done $0x0  }
.LBB2_2:
0x25: {  	s19 =	sadd.s32 s17, s10  }
0x26: {  	[sflag:s12] =	ssyncadd.s32 $0xFFFFC000;
	s20 =	smov.u32 s18;
	s21 =	sadd.s32 $0x10, s18  }
0x27: {  	[tilespmem:s3], [sflag:$0x2] =	stream.linear.gather [hbm4b:s19+s3], $0x80, $0x38;
	[tilespmem:$0x18100] =	vst v63  }
0x28: {  	p0 =	sne.s32 s18, $0x4F0;
	_ =	swait.ge [sflag:s12], $0x80  }
0x29: {  	[sflag:s12] =	ssyncset.done $0x0  }
0x2a: {  	s18 =	sadd.s32 s17, s9;
	s17 =	smov.u32 s20;
	[sflag:s12] =	ssyncadd.s32 $0xFFFFFF80  }
0x2b: {  	[tilespmem:s13], [sflag:$0x2] =	stream.linear.gather [hbm4b:s18+s3], $0x80, $0x38;
	[tilespmem:$0x18100] =	vst v63  }
0x2c: {  	_ =	swait.ge [sflag:s12], $0x80  }
0x2d: {  	[sflag:s12] =	ssyncset.done $0x0  }
0x2e: {  	[sflag:s12] =	ssyncadd.s32 $0xFFFFFF80  }
0x2f: {  	[tilespmem:s14], [sflag:$0x1] =	stream.indirect.gather [hbm4b:s4+s13], $0x80, s3, s13, $0xb8;
	[tilespmem:$0x18100] =	vst v63  }
0x30: {  	_ =	swait.ge [sflag:s15], $0x4000  }
.Ltmp0:
0x31: {  	[sflag:s15] =	ssyncset.done $0x0;
	(pc) =	sbr.rel @p0 .LBB2_2-.Ltmp0, $4  }
0x32: {  	[sflag:s15] =	ssyncadd.s32 $0xFFFFC000  }
0x33: {  	[spmem:s2] =	stream.indirect.scatter.add.f32 [tilespmem:s14], [sflag:$0x2], $0x80, s13, s13, $0xb8;
	[tilespmem:$0x18100] =	vst v63  }
0x34: {  	_ =	swait.ge [sflag:s12], $0x4000  }
0x35: {  	s18 =	smov.u32 s21;
	[sflag:s12] =	ssyncset.done $0x0  }
0x36: {  	s18 =	sadd.s32 s17, s10;
	[sflag:s12] =	ssyncadd.s32 $0xFFFFC000  }
0x37: {  	[tilespmem:s3], [sflag:$0x2] =	stream.linear.gather [hbm4b:s18+s3], $0x80, $0x38;
	[tilespmem:$0x18100] =	vst v63  }
0x38: {  	_ =	swait.ge [sflag:s12], $0x80  }
0x39: {  	[sflag:s12] =	ssyncset.done $0x0  }
0x3a: {  	s31 =	sadd.s32 s17, s9;
	[sflag:s12] =	ssyncadd.s32 $0xFFFFFF80  }
0x3b: {  	[tilespmem:s13], [sflag:$0x2] =	stream.linear.gather [hbm4b:s31+s3], $0x80, $0x38;
	[tilespmem:$0x18100] =	vst v63  }
0x3c: {  	_ =	swait.ge [sflag:s12], $0x80  }
0x3d: {  	[sflag:s12] =	ssyncset.done $0x0  }
0x3e: {  	[sflag:s12] =	ssyncadd.s32 $0xFFFFFF80  }
0x3f: {  	[tilespmem:s14], [sflag:$0x1] =	stream.indirect.gather [hbm4b:s4+s13], $0x80, s3, s13, $0xb8;
	[tilespmem:$0x18100] =	vst v63  }
0x40: {  	_ =	swait.ge [sflag:s15], $0x4000  }
0x41: {  	[sflag:s15] =	ssyncset.done $0x0  }
0x42: {  	[sflag:s15] =	ssyncadd.s32 $0xFFFFC000  }
0x43: {  	[spmem:s2] =	stream.indirect.scatter.add.f32 [tilespmem:s14], [sflag:$0x2], $0x80, s13, s13, $0xb8;
	[tilespmem:$0x18100] =	vst v63  }
0x44: {  	_ =	swait.ge [sflag:s12], $0x4000  }
0x45: {  	s16 =	sadd.s32 $0x1, s16;
	[sflag:s12] =	ssyncset.done $0x0  }
0x46: {  	p0 =	sne.s32 s16, s8;
	[sflag:s12] =	ssyncadd.s32 $0xFFFFC000  }
.Ltmp1:
0x47: {  	[bflag:$0x0] =	sbarrier.arrive $0xFFFF;
	(pc) =	sbr.rel @p0 .LBB2_1-.Ltmp1, $4  }
0x48: {  	[hbm:s7], [sflag:s6] =	dma.local [spmem:s11], $0x2800  }
0x49: {  	_ =	swait.ge [sflag:s12], $0x2800  }
0x4a: {  	[sflag:s12] =	ssyncset.done $0x0  }
0x4b: {  	[sflag:s12] =	ssyncadd.s32 $0xFFFFD800  }
0x4c: {  	_ =	sfence.sel $0x180000  }
0x4d: {  	[bflag:$0x0] =	sbarrier.arrive $0xFFFF  }
0x4e: {  	p0 =	sne.s32 s1, $0x0;
	_ =	strace $0x9000004D  }
0x4f: {  	s0 =	sadd.s32 @!p0 $0x100000, s0;
	[bflag:$0x2] =	sbarrier.arrive $0xFFFF  }
0x50: {  	[sflag:s0] =	ssyncadd.tile.s32 @!p0 $0x1;
	_ =	shalt  }
.Lfunc_end2:
_tile_overlayer_lowered:
.L_overlay_start_2:
0x51: {  	(tag) =	ssettag $0x2  }
0x52: {  	s0 =	rddreg [dreg:$0x0];
	s2 =	stileid.u32  }
0x53: {  	s1 =	rddreg [dreg:$0x1];
	p0 =	sne.s32 s2, $0x0  }
0x54: {  	s3 =	rddreg [dreg:$0x2];
	[bflag:$0x3] =	sbarrier.arrive $0xFFFF;
	s2 =	simm.s32 @!p0 $0x1C02  }
0x55: {  	[timem:s3], [sflag:s2] =	dma.local @!p0 [hbm:s0], s1  }
0x56: {  	s0 =	simm.s32 @!p0 $0x2  }
0x57: {  	_ =	swait.ge @!p0 [sflag:s0], s1  }
0x58: {  	s1 =	ssub.s32 @!p0 $0x0, s1;
	[sflag:s0] =	ssyncset.done @!p0 $0x0  }
0x59: {  	[sflag:s0] =	ssyncadd.s32 @!p0 s1  }
0x5a: {  	[bflag:$0x3] =	sbarrier.arrive $0xFFFF  }
0x5b: {  	_ =	shalt  }

// kernel: kernel.9.cloned.1.call-start
scs
__scs_entry_jumppad:
0x0: {  	(pc) =	sbr.rel $0x88, $3  }
0x1: {  	(tag) =	ssettag $0x0;
	lr =	simm.s32 $0x1  }
0x2: {  	[smem:$0x3F94] =	sst lr;
	_ =	strace $0xD0000000  }
0x3: {  	_ = 	snop  }
0x4: {  	_ = 	snop  }
0x5: {  	_ = 	snop  }
0x6: {  	_ = 	snop  }
0x7: {  	_ = 	snop  }
__scs_overlays_trampoline_lowered:
0x8: {  	[smem:$0x3FA3] =	sst s0  }
0x9: {  	[smem:$0x3FA4] =	sst s1  }
0xa: {  	[smem:$0x3FA5] =	sst s2  }
0xb: {  	[smem:$0x3FA6] =	sst s3  }
0xc: {  	[smem:$0x3FA7] =	sst s4  }
0xd: {  	[smem:$0x3FA8] =	sst s5  }
0xe: {  	[smem:$0x3FA9] =	sst s6  }
0xf: {  	[smem:$0x3FAA] =	sst s7  }
0x10: {  	[smem:$0x3FAB] =	sst s8  }
0x11: {  	[smem:$0x3FAC] =	sst s9;
	s0 =	simm.s32 @!p0 $0x0  }
0x12: {  	s1 =	sld [smem:$0x3F92];
	s0 =	simm.s32 @p0 $0x1  }
0x13: {  	[smem:$0x3FAD] =	sst s0;
	s0 =	simm.s32 @!p1 $0x0  }
0x14: {  	s2 =	sld [smem:$0x3F91];
	s0 =	simm.s32 @p1 $0x1  }
0x15: {  	[smem:$0x3FAE] =	sst s0;
	s0 =	simm.s32 @!p2 $0x0  }
0x16: {  	s3 =	sld [smem:$0x3FDB];
	s0 =	simm.s32 @p2 $0x1  }
0x17: {  	s4 =	simm.s32 $0x1BF5;
	[smem:$0x3FB0] =	sst s0  }
0x18: {  	s0 =	sld [smem:$0x3F93];
	_ =	swait.ge [sflag:s4], $0x0  }
0x19: {  	s7 =	sld [smem:$0x3F94]  }
0x1a: {  	s8 =	sadd.s32 $0xFFFFE003, lr  }
0x1b: {  	s9 =	sadd.s32 $0xFFFFFEF7, lr;
	s5 =	simm.s32 $0xFFFFFFFF;
	p2 =	slt.u32 s8, $0xFFFFF086  }
0x1c: {  	p1 =	slt.u32 s9, $0xF7A;
	s5 =	simm.s32 @!p2 $0x0  }
0x1d: {  	s5 =	simm.s32 @p1 $0x1;
	p0 =	seq.s32 s7, s2  }
0x1e: {  	s7 =	smul.u32 @!p0 $0xF7A, s2;
	p2 =	seq.s32 @!p0 s5, $0x0  }
0x1f: {  	s9 =	smul.u32 $0xF7A, s1;
	s8 =	simm.s32 @!p0 $0x1BF5;
	p2 =	por !p2, p0  }
0x20: {  	[sflag:s8] =	ssyncset.s32 @!p0 $0xFFFFF086;
	s6 =	sadd.s32 @!p0 s3, s7;
	s7 =	simm.s32 @!p0 $0x108  }
0x21: {  	s3 =	sadd.s32 s3, s9;
	s6 =	sadd.s32 @!p0 $0x88, s6;
	s7 =	simm.s32 @p2 $0x1082  }
0x22: {  	[simem:s7], [sflag:s8] =	dma.local @!p0 [hbm:s6], $0xF7A  }
0x23: {  	s9 =	sor.u32 $0xD0000000, s2;
	s6 =	simm.s32 $0x108;
	_ =	swait.ge @!p0 [sflag:s8], $0x0  }
0x24: {  	s3 =	sadd.s32 $0x88, s3;
	s6 =	simm.s32 @!p1 $0x1082;
	[sflag:s4] =	ssyncset.s32 $0xFFFFF086  }
0x25: {  	[simem:s6], [sflag:s4] =	dma.local [hbm:s3], $0xF7A  }
0x26: {  	[smem:$0x3F94] =	sst s1;
	(tag) =	ssettag s2;
	_ =	strace s9  }
0x27: {  	s1 =	sld [smem:$0x3FA4]  }
0x28: {  	s2 =	sld [smem:$0x3FA5]  }
0x29: {  	s4 =	sld [smem:$0x3FA7]  }
0x2a: {  	p0 =	seq.s32 s5, $0x0;
	s5 =	sld [smem:$0x3FA8]  }
0x2b: {  	s6 =	sld [smem:$0x3FA9]  }
0x2c: {  	s7 =	sld [smem:$0x3FAA]  }
0x2d: {  	s3 =	simm.s32 $0x108;
	s8 =	sld [smem:$0x3FAB]  }
0x2e: {  	s3 =	simm.s32 @!p0 $0x1082;
	s9 =	sld [smem:$0x3FAC]  }
0x2f: {  	lr =	sadd.s32 s0, s3;
	s0 =	sld [smem:$0x3FA3]  }
0x30: {  	s3 =	sld [smem:$0x3FA6]  }
0x31: {  	[smem:$0x3FAF] =	sst s10  }
0x32: {  	s10 =	sld [smem:$0x3FAD];
	_ =	sdelay $0x3  }
0x33: {  	p0 =	seq.s32 s10, $0x1;
	s10 =	sld [smem:$0x3FAF];
	_ =	sdelay $0x3  }
0x34: {  	[smem:$0x3FAF] =	sst s10  }
0x35: {  	s10 =	sld [smem:$0x3FAE];
	_ =	sdelay $0x3  }
0x36: {  	p1 =	seq.s32 s10, $0x1;
	s10 =	sld [smem:$0x3FAF];
	_ =	sdelay $0x3  }
0x37: {  	[smem:$0x3FAF] =	sst s10  }
0x38: {  	s10 =	sld [smem:$0x3FB0]  }
0x39: {  	_ = 	snop;
	(pc) =	sbr.ind lr, $3  }
0x3a: {  	_ = 	snop  }
0x3b: {  	_ = 	snop  }
0x3c: {  	p2 =	seq.s32 s10, $0x1;
	s10 =	sld [smem:$0x3FAF]  }
0x3d: {  	_ =	shalt  }
0x3e: {  	_ =	shalt  }
0x3f: {  	_ =	shalt  }
0x40: {  	_ =	shalt  }
0x41: {  	_ =	shalt  }
0x42: {  	_ =	shalt  }
0x43: {  	_ =	shalt  }
0x44: {  	_ =	shalt  }
0x45: {  	_ =	shalt  }
0x46: {  	_ =	shalt  }
0x47: {  	_ =	shalt  }
0x48: {  	_ =	shalt  }
0x49: {  	_ =	shalt  }
0x4a: {  	_ =	shalt  }
0x4b: {  	_ =	shalt  }
0x4c: {  	_ =	shalt  }
0x4d: {  	_ =	shalt  }
0x4e: {  	_ =	shalt  }
0x4f: {  	_ =	shalt  }
0x50: {  	_ =	shalt  }
0x51: {  	_ =	shalt  }
0x52: {  	_ =	shalt  }
0x53: {  	_ =	shalt  }
0x54: {  	_ =	shalt  }
0x55: {  	_ =	shalt  }
0x56: {  	_ =	shalt  }
0x57: {  	_ =	shalt  }
0x58: {  	_ =	shalt  }
0x59: {  	_ =	shalt  }
0x5a: {  	_ =	shalt  }
0x5b: {  	_ =	shalt  }
0x5c: {  	_ =	shalt  }
0x5d: {  	_ =	shalt  }
0x5e: {  	_ =	shalt  }
0x5f: {  	_ =	shalt  }
0x60: {  	_ =	shalt  }
0x61: {  	_ =	shalt  }
0x62: {  	_ =	shalt  }
0x63: {  	_ =	shalt  }
0x64: {  	_ =	shalt  }
0x65: {  	_ =	shalt  }
0x66: {  	_ =	shalt  }
0x67: {  	_ =	shalt  }
0x68: {  	_ =	shalt  }
0x69: {  	_ =	shalt  }
0x6a: {  	_ =	shalt  }
0x6b: {  	_ =	shalt  }
0x6c: {  	_ =	shalt  }
0x6d: {  	_ =	shalt  }
0x6e: {  	_ =	shalt  }
0x6f: {  	_ =	shalt  }
0x70: {  	_ =	shalt  }
0x71: {  	_ =	shalt  }
0x72: {  	_ =	shalt  }
0x73: {  	_ =	shalt  }
0x74: {  	_ =	shalt  }
0x75: {  	_ =	shalt  }
0x76: {  	_ =	shalt  }
0x77: {  	_ =	shalt  }
0x78: {  	_ =	shalt  }
0x79: {  	_ =	shalt  }
0x7a: {  	_ =	shalt  }
0x7b: {  	_ =	shalt  }
0x7c: {  	_ =	shalt  }
0x7d: {  	_ =	shalt  }
0x7e: {  	_ =	shalt  }
0x7f: {  	_ =	shalt  }
0x80: {  	_ =	shalt  }
0x81: {  	_ =	shalt  }
0x82: {  	_ =	shalt  }
0x83: {  	_ =	shalt  }
0x84: {  	_ =	shalt  }
0x85: {  	_ =	shalt  }
0x86: {  	_ =	shalt  }
0x87: {  	_ =	shalt  }
.Lfunc_end0:
.L_simem_size_0:
called_computation_lowered:
.L_overlay_start_0:
0x88: {  	s2 =	sld [smem:$0x3FD9]  }
0x89: {  	s3 =	sld [smem:$0x3FFE];
	_ =	sdelay $0x1  }
0x8a: {  	s1 =	srdreg.scid  }
0x8b: {  	s0 =	sand.u32 $0x1, s1  }
0x8c: {  	s14 =	sshll.u32 s0, $0xA;
	s2 =	sadd.s32 s3, s2  }
0x8d: {  	s2 =	sadd.s32 s2, s14  }
0x8e: {  	[smem:$0x3FBB] =	sst s2  }
0x8f: {  	_ = 	snop  }
0x90: {  	s2 =	sld [smem:$0x3FD0];
	_ =	sdelay $0x2  }
0x91: {  	s15 =	simm.s32 $0xA;
	s4 =	simm.s32 $0x10  }
0x92: {  	[smem:s4], [sflag:s15] =	dma.local [hbm:s2], $0x1  }
0x93: {  	_ =	swait.eq [sflag:s15], $0x1  }
0x94: {  	[sflag:s15] =	ssyncset.done $0x0  }
0x95: {  	[sflag:s15] =	ssyncadd.s32 $0xFFFFFFFF  }
0x96: {  	s16 =	sld [smem:$0x10];
	(tm) =	ssettm $0x1  }
0x97: {  	s17 =	sld [smem:$0x3FFB];
	_ =	sdelay $0x3  }
0x98: {  	_ =	strace s17  }
0x99: {  	s3 =	sld [smem:$0x3FFC];
	_ =	sdelay $0x3  }
0x9a: {  	_ =	strace s3  }
0x9b: {  	s3 =	sld [smem:$0x3FFD];
	_ =	sdelay $0x3  }
0x9c: {  	_ =	strace s3  }
0x9d: {  	_ =	strace $0x8FFFFFFF  }
0x9e: {  	s18 =	sld [smem:$0x3FDB];
	_ =	sdelay $0x1  }
0x9f: {  	s19 =	simm.s32 $_scs_section_size  }
0xa0: {  	s5 =	simm.s32 $_size__tile_overlayer_lowered;
	s6 =	simm.s32 $_tile_overlayer_lowered  }
0xa1: {  	s22 =	simm.s32 $0x1BFF;
	s21 =	sshll.u32 s6, $0x1;
	s3 =	sadd.s32 s19, s18  }
0xa2: {  	s7 =	simm.s32 $0x0;
	s20 =	sshll.u32 s5, $0x1;
	s5 =	sadd.s32 s21, s3  }
0xa3: {  	[timem:s7], [sflag:s22] =	dma.local [hbm:s5], s20  }
0xa4: {  	_ =	swait.ge [sflag:s22], s20  }
0xa5: {  	s4 =	ssub.s32 $0x0, s20;
	[sflag:s22] =	ssyncset.done $0x0  }
0xa6: {  	[sflag:s22] =	ssyncadd.s32 s4;
	_ =	sdelay $0x1  }
0xa7: {  	s23 =	simm.s32 $0x1B8B  }
0xa8: {  	_ =	swait.ge [sflag:s23], $0x1  }
0xa9: {  	[sflag:s23] =	ssyncset.done $0x0  }
0xaa: {  	s25 =	simm.s32 $0x1B8E;
	s24 =	sld [smem:$0x3FFE];
	[sflag:s23] =	ssyncadd.s32 $0xFFFFFFFF  }
0xab: {  	s26 =	simm.s32 $execute0_lowered;
	[smem:$0x3FD2] =	sst s25  }
0xac: {  	s5 =	sshll.u32 s26, $0x1;
	_ =	strace $0x80000046;
	[dreg:$0x1] =	wrdreg $0xFFFFFFFF  }
0xad: {  	s28 =	simm.s32 $_size_execute0_lowered;
	s3 =	sadd.s32 s3, s5;
	[dreg:$0x0] =	wrdreg $0x0  }
0xae: {  	s5 =	sshll.u32 s28, $0x1;
	[dreg:$0x2] =	wrdreg s3  }
0xaf: {  	[dreg:$0x3] =	wrdreg s5  }
0xb0: {  	[dreg:$0x4] =	wrdreg $0xC0  }
0xb1: {  	_ =	task [dreg:s7], $0x5FFFF  }
0xb2: {  	[dreg:$0x1] =	wrdreg $0xFFFFFFFF  }
0xb3: {  	[dreg:$0x0] =	wrdreg $0x60  }
0xb4: {  	[dreg:$0x2] =	wrdreg s16  }
0xb5: {  	[dreg:$0x3] =	wrdreg s24  }
0xb6: {  	[dreg:$0x4] =	wrdreg $0x1000  }
0xb7: {  	[dreg:$0x5] =	wrdreg $0x9  }
0xb8: {  	_ =	task.clear_ibuf [dreg:s7], $0x6FFFF;
	_ =	strace $0x90000046  }
0xb9: {  	s29 =	simm.s32 $0x9;
	_ =	strace $0x80000048  }
0xba: {  	_ =	swait.ge [sflag:s29], $0x1  }
0xbb: {  	[sflag:s29] =	ssyncadd.s32 $0xFFFFFFFF  }
0xbc: {  	_ =	strace $0x90000048  }
0xbd: {  	_ =	sfence  }
0xbe: {  	s30 =	sld [smem:$0x0];
	_ =	sdelay $0x2  }
0xbf: {  	s31 =	sshll.u32 s1, $0xD;
	s1 =	sshrl.u32 s1, $0x2  }
0xc0: {  	s3 =	sand.u32 $0x4000, s31;
	s1 =	sadd.s32 s1, s30  }
0xc1: {  	s0 =	sor.u32 s3, s0;
	s1 =	sshll.u32 s1, $0x11  }
0xc2: {  	s0 =	sor.u32 s1, s0  }
0xc3: {  	s0 =	sadd.s32 $0x8F2B, s0  }
0xc4: {  	[sflag:s0] =	ssyncadd.remote.s32 $0x1  }
0xc5: {  	_ =	sfence.sel $0xFFFF  }
0xc6: {  	[dreg:$0x0] =	wrdreg $0xFFFFFFFF;
	(pc) =	sbr.abs _section_cstart, $3  }
0xc7: {  	[dreg:$0x1] =	wrdreg $0xFFFFFFFF  }
0xc8: {  	_ =	task.clear_ibuf [dreg:s7], $0x2FFFF;
	_ =	strace $0x9FFFFFFF  }
0xc9: {  	(tm) =	ssettm $0x7FFFFFFF  }
tec
execute0_lowered:
.L_overlay_start_1:
0x0: {  	(tag) =	ssettag $0x1  }
0x1: {  	s7 =	rddreg [dreg:$0x0]  }
0x2: {  	s4 =	rddreg [dreg:$0x1]  }
0x3: {  	s0 =	stileid.u32;
	s1 =	srdreg.scid  }
0x4: {  	s2 =	rddreg [dreg:$0x2];
	s3 =	simm.s32 $0x0;
	s5 =	smul.u32 $0x280, s0  }
0x5: {  	s6 =	sand.u32 $0x1, s1;
	s1 =	rddreg [dreg:$0x3];
	s12 =	smul.u32 $0xA00, s0  }
0x6: {  	[smem:$0x7FF] =	sst s3;
	s29 =	sshll.u32 s0, $0x6;
	s8 =	smul.u32 $0x2800, s6  }
0x7: {  	_ =	strace $0x80000047;
	s10 =	ssub.s32 $0x2, s6;
	s30 =	smul.u32 $0x500, s6  }
0x8: {  	s9 =	sshrl.u32 s5, $0x3;
	s28 =	sshrl.u32 s10, $0x1;
	s11 =	sadd.s32 s5, s2  }
0x9: {  	s31 =	sadd.s32 s12, s7;
	s12 =	simm.s32 $0x0;
	s8 =	sadd.s32 s5, s8  }
0xa: {  	s9 =	sadd.s32 s9, s4;
	s10 =	ssub.s32 s10, s28;
	s5 =	sor.u32 $0x1C01, s29  }
0xb: {  	s8 =	sshrl.u32 s8, $0x3;
	s7 =	smax.u32 s10, $0x1;
	s10 =	simm.s32 $0x1  }
0xc: {  	s8 =	sadd.s32 s8, s4;
	s4 =	sadd.s32 $0x3C00, s9;
	s9 =	sshrl.u32 s11, $0x3  }
0xd: {  	v0 =	vimm.f32 $1.000000000e+00;
	s11 =	simm.s32 $0x80;
	s6 =	sadd.s32 $0x4200, s8;
	s8 =	sadd.s32 s30, s31  }
.LBB2_1:
0xe: {  	[tilespmem:$0x80] =	vst v0  }
0xf: {  	[tilespmem:$0x90] =	vst v0  }
0x10: {  	[tilespmem:$0xA0] =	vst v0  }
0x11: {  	[tilespmem:$0xB0] =	vst v0  }
0x12: {  	[tilespmem:$0xC0] =	vst v0  }
0x13: {  	[tilespmem:$0xD0] =	vst v0  }
0x14: {  	[tilespmem:$0xE0] =	vst v0  }
0x15: {  	[tilespmem:$0xF0] =	vst v0  }
0x16: {  	[spmem:s9], [sflag:s5] =	dma.local [hbm:s4], $0x50  }
0x17: {  	_ =	swait.ge [sflag:s10], $0x50  }
0x18: {  	[sflag:s10] =	ssyncset.done $0x0  }
0x19: {  	[sflag:s10] =	ssyncadd.s32 $0xFFFFFFB0  }
0x1a: {  	s13 =	sadd.s32 $0x0, s8;
	[bflag:$0x0] =	sbarrier.arrive $0xFFFF  }
0x1b: {  	[tilespmem:s3], [sflag:$0x1] =	stream.linear.gather [hbm4b:s13+s3], $0x80, $0x38;
	[tilespmem:$0x380] =	vst v63  }
0x1c: {  	_ =	swait.ge [sflag:s10], $0x80  }
0x1d: {  	[sflag:s10] =	ssyncset.done $0x0  }
0x1e: {  	[sflag:s10] =	ssyncadd.s32 $0xFFFFFF80  }
0x1f: {  	[spmem:s2] =	stream.indirect.scatter.add.f32 [tilespmem:s11], [sflag:$0x1], $0x1, s3, s11, $0xb8;
	[tilespmem:$0x380] =	vst v63  }
0x20: {  	_ =	swait.ge [sflag:s10], $0x80  }
0x21: {  	s14 =	simm.s32 $0x20;
	s13 =	simm.s32 $0x10;
	[sflag:s10] =	ssyncset.done $0x0  }
.LBB2_2:
0x22: {  	s15 =	sadd.s32 s13, s8  }
0x23: {  	[sflag:s10] =	ssyncadd.s32 $0xFFFFFF80;
	s13 =	smov.u32 s14;
	s16 =	sadd.s32 $0x10, s14  }
0x24: {  	[tilespmem:s3], [sflag:$0x1] =	stream.linear.gather [hbm4b:s15+s3], $0x80, $0x38;
	[tilespmem:$0x380] =	vst v63  }
0x25: {  	p0 =	sne.s32 s14, $0x4F0;
	_ =	swait.ge [sflag:s10], $0x80  }
.Ltmp0:
0x26: {  	[sflag:s10] =	ssyncset.done $0x0;
	(pc) =	sbr.rel @p0 .LBB2_2-.Ltmp0, $4  }
0x27: {  	[sflag:s10] =	ssyncadd.s32 $0xFFFFFF80  }
0x28: {  	[spmem:s2] =	stream.indirect.scatter.add.f32 [tilespmem:s11], [sflag:$0x1], $0x1, s3, s11, $0xb8;
	[tilespmem:$0x380] =	vst v63  }
0x29: {  	_ =	swait.ge [sflag:s10], $0x80  }
0x2a: {  	s14 =	smov.u32 s16;
	[sflag:s10] =	ssyncset.done $0x0  }
0x2b: {  	s13 =	sadd.s32 s13, s8;
	[sflag:s10] =	ssyncadd.s32 $0xFFFFFF80  }
0x2c: {  	[tilespmem:s3], [sflag:$0x1] =	stream.linear.gather [hbm4b:s13+s3], $0x80, $0x38;
	[tilespmem:$0x380] =	vst v63  }
0x2d: {  	_ =	swait.ge [sflag:s10], $0x80  }
0x2e: {  	[sflag:s10] =	ssyncset.done $0x0  }
0x2f: {  	[sflag:s10] =	ssyncadd.s32 $0xFFFFFF80  }
0x30: {  	[spmem:s2] =	stream.indirect.scatter.add.f32 [tilespmem:s11], [sflag:$0x1], $0x1, s3, s11, $0xb8;
	[tilespmem:$0x380] =	vst v63  }
0x31: {  	_ =	swait.ge [sflag:s10], $0x80  }
0x32: {  	s12 =	sadd.s32 $0x1, s12;
	[sflag:s10] =	ssyncset.done $0x0  }
0x33: {  	p0 =	sne.s32 s12, s7;
	[sflag:s10] =	ssyncadd.s32 $0xFFFFFF80  }
.Ltmp1:
0x34: {  	[bflag:$0x0] =	sbarrier.arrive $0xFFFF;
	(pc) =	sbr.rel @p0 .LBB2_1-.Ltmp1, $4  }
0x35: {  	[hbm:s6], [sflag:s5] =	dma.local [spmem:s9], $0x50  }
0x36: {  	_ =	swait.ge [sflag:s10], $0x50  }
0x37: {  	[sflag:s10] =	ssyncset.done $0x0  }
0x38: {  	[sflag:s10] =	ssyncadd.s32 $0xFFFFFFB0  }
0x39: {  	_ =	sfence.sel $0x180000  }
0x3a: {  	[bflag:$0x0] =	sbarrier.arrive $0xFFFF  }
0x3b: {  	p0 =	sne.s32 s0, $0x0;
	_ =	strace $0x90000047  }
0x3c: {  	s0 =	sadd.s32 @!p0 $0x100000, s1;
	[bflag:$0x2] =	sbarrier.arrive $0xFFFF  }
0x3d: {  	[sflag:s0] =	ssyncadd.tile.s32 @!p0 $0x1;
	_ =	shalt  }
.Lfunc_end2:
_tile_overlayer_lowered:
.L_overlay_start_2:
0x3e: {  	(tag) =	ssettag $0x2  }
0x3f: {  	s0 =	rddreg [dreg:$0x0];
	s2 =	stileid.u32  }
0x40: {  	s1 =	rddreg [dreg:$0x1];
	p0 =	sne.s32 s2, $0x0  }
0x41: {  	s3 =	rddreg [dreg:$0x2];
	[bflag:$0x3] =	sbarrier.arrive $0xFFFF;
	s2 =	simm.s32 @!p0 $0x1C01  }
0x42: {  	[timem:s3], [sflag:s2] =	dma.local @!p0 [hbm:s0], s1  }
0x43: {  	s0 =	simm.s32 @!p0 $0x1  }
0x44: {  	_ =	swait.ge @!p0 [sflag:s0], s1  }
0x45: {  	s1 =	ssub.s32 @!p0 $0x0, s1;
	[sflag:s0] =	ssyncset.done @!p0 $0x0  }
0x46: {  	[sflag:s0] =	ssyncadd.s32 @!p0 s1  }
0x47: {  	[bflag:$0x3] =	sbarrier.arrive $0xFFFF  }
0x48: {  	_ =	shalt  }

</sc_bundles>
